<compile_context>
chip_gen: v7x
topology: tpu7x:2x2x1
jax: 0.10.2.dev20260603
libtpu: 0.0.44.dev20260713+nightly
codegen_flags: <defaults>
</compile_context>

<pallas_src>
import functools

import jax
import jax.numpy as jnp
from jax import lax
from jax.experimental import pallas as pl
from jax.experimental.pallas import tpu as pltpu
from jax.experimental.pallas import tpu_sc as plsc

B, N = 4, 128
IMG_D = 256
PC_D = 256
VIS_D = 256
THRESH_VAL = 0.0
NEG = -2.0
HIGHEST = lax.Precision.HIGHEST
L = 16
NCHUNK = N // L


def _dot_t(x, w, precision=None):
    return lax.dot_general(x, w, (((1,), (1,)), ((), ())), precision=precision,
                           preferred_element_type=jnp.float32)


def _sims_body(img_ref, pc_ref, pimg_ref, ppc_ref, mask_ref, s_ref):
    img = img_ref[0]
    pc = pc_ref[0]
    pimg = pimg_ref[0]
    ppc = ppc_ref[0]
    ss_f = jnp.sum(img * img, axis=1, keepdims=True) + jnp.sum(pc * pc, axis=1, keepdims=True)
    ss_p = jnp.sum(pimg * pimg, axis=1, keepdims=True) + jnp.sum(ppc * ppc, axis=1, keepdims=True)
    den_f = jnp.maximum(jnp.sqrt(ss_f), 1e-8)
    den_p = jnp.maximum(jnp.sqrt(ss_p), 1e-8)
    fn_img = img / den_f
    fn_pc = pc / den_f
    pn_img = pimg / den_p
    pn_pc = ppc / den_p
    sims = _dot_t(fn_img, pn_img, HIGHEST) + _dot_t(fn_pc, pn_pc, HIGHEST)
    s_ref[0] = jnp.where(mask_ref[0], sims, NEG)


def _masked_sims(img, pc, pimg, ppc, mask_b):
    feat_spec = pl.BlockSpec((1, N, IMG_D), lambda b: (b, 0, 0))
    mat_spec = pl.BlockSpec((1, N, N), lambda b: (b, 0, 0))
    return pl.pallas_call(
        _sims_body,
        grid=(B,),
        in_specs=[feat_spec, feat_spec, feat_spec, feat_spec, mat_spec],
        out_specs=mat_spec,
        out_shape=jax.ShapeDtypeStruct((B, N, N), jnp.float32),
    )(img, pc, pimg, ppc, mask_b)


def _premlp_body(img_ref, pc_ref, pimg_ref, ppc_ref, iW1_ref, pW1_ref,
                 pre_img_ref, pre_pc_ref, z_img_ref, z_pc_ref):
    iW1 = iW1_ref[...]
    pW1 = pW1_ref[...]
    pre_img_ref[0] = _dot_t(img_ref[0], iW1[:, :IMG_D])
    pre_pc_ref[0] = _dot_t(pc_ref[0], pW1[:, :PC_D])
    z_img_ref[0] = _dot_t(pimg_ref[0], iW1[:, IMG_D:])
    z_pc_ref[0] = _dot_t(ppc_ref[0], pW1[:, PC_D:])


def _premlp(img, pc, pimg, ppc, iW1, pW1):
    feat_spec = pl.BlockSpec((1, N, IMG_D), lambda b: (b, 0, 0))
    full = lambda arr: pl.BlockSpec(arr.shape, lambda b: tuple(0 for _ in arr.shape))
    return pl.pallas_call(
        _premlp_body,
        grid=(B,),
        in_specs=[feat_spec, feat_spec, feat_spec, feat_spec, full(iW1), full(pW1)],
        out_specs=[feat_spec] * 4,
        out_shape=[jax.ShapeDtypeStruct((B, N, IMG_D), jnp.float32)] * 4,
    )(img, pc, pimg, ppc, iW1, pW1)


def _greedy_body(s_hbm, idx_hbm, s_v, idx_v, rot_f, rot_i):
    info = plsc.get_sparse_core_info()
    wid = lax.axis_index("s") * info.num_cores + lax.axis_index("c")

    def rotmax_f(v):
        for k in (8, 4, 2, 1):
            rot_f[pl.ds(0, L)] = v
            rot_f[pl.ds(L, L)] = v
            v = jnp.maximum(v, rot_f[pl.ds(k, L)])
        return v

    def rotmin_i(v):
        for k in (8, 4, 2, 1):
            rot_i[pl.ds(0, L)] = v
            rot_i[pl.ds(L, L)] = v
            v = jnp.minimum(v, rot_i[pl.ds(k, L)])
        return v

    @pl.when(wid < B)
    def _():
        pltpu.sync_copy(s_hbm.at[wid], s_v)
        iota = lax.iota(jnp.int32, L)
        big = jnp.int32(32767)
        zeros = jnp.zeros((L,), jnp.float32)
        neg1 = jnp.full((L,), -1, jnp.int32)

        def body(i, carry):
            vis = carry[:NCHUNK]
            idxs = carry[NCHUNK:]
            vm = jnp.full((L,), -3.0, jnp.float32)
            cidx = jnp.full((L,), big, jnp.int32)
            for c in range(NCHUNK):
                sv = s_v[i, pl.ds(c * L, L)]
                eff = jnp.where(vis[c] > 0.0, NEG, sv)
                upd = eff > vm
                cidx = jnp.where(upd, iota + c * L, cidx)
                vm = jnp.maximum(vm, eff)
            for k in (8, 4, 2, 1):
                rot_f[pl.ds(0, L)] = vm
                rot_f[pl.ds(L, L)] = vm
                rot_i[pl.ds(0, L)] = cidx
                rot_i[pl.ds(L, L)] = cidx
                rvm = rot_f[pl.ds(k, L)]
                rci = rot_i[pl.ds(k, L)]
                take = (rvm > vm) | ((rvm == vm) & (rci < cidx))
                vm = jnp.where(take, rvm, vm)
                cidx = jnp.where(take, rci, cidx)
            ok_v = vm >= THRESH_VAL
            j_sel = jnp.where(ok_v, cidx, big)
            new_vis = tuple(
                jnp.where((iota + c * L) == j_sel, 1.0, vis[c])
                for c in range(NCHUNK))
            new_idxs = tuple(
                jnp.where((iota + c * L) == i,
                          jnp.where(ok_v, cidx, neg1), idxs[c])
                for c in range(NCHUNK))
            return new_vis + new_idxs

        init = (zeros,) * NCHUNK + (neg1,) * NCHUNK
        final = lax.fori_loop(0, N, body, init)
        for c in range(NCHUNK):
            idx_v[pl.ds(c * L, L)] = final[NCHUNK + c]
        pltpu.sync_copy(idx_v, idx_hbm.at[wid, 0])


def _greedy_match(s0):
    mesh = plsc.VectorSubcoreMesh(core_axis_name="c", subcore_axis_name="s")
    return pl.kernel(
        _greedy_body,
        out_type=jax.ShapeDtypeStruct((B, 1, N), jnp.int32),
        mesh=mesh,
        scratch_types=[
            pltpu.VMEM((N, N), jnp.float32),
            pltpu.VMEM((N,), jnp.int32),
            pltpu.VMEM((2 * L,), jnp.float32),
            pltpu.VMEM((2 * L,), jnp.int32),
        ],
    )(s0)


def _ln_rows(x, g, b):
    m = jnp.mean(x, axis=-1, keepdims=True)
    v = jnp.mean((x - m) ** 2, axis=-1, keepdims=True)
    return (x - m) / jnp.sqrt(v + 1e-5) * g + b


def _mlp_body(idx_ref, pre_img_ref, pre_pc_ref, z_img_ref, z_pc_ref, pspat_ref,
              ib1_ref, iW2_ref, ib2_ref, iW3_ref, ib3_ref, ig_ref, ibe_ref,
              pb1_ref, pW2_ref, pb2_ref, pW3_ref, pb3_ref, pg_ref, pbe_ref,
              fW1_ref, fb1_ref, fW2_ref, fb2_ref, fg_ref, fbe_ref,
              vis_ref, nps_ref):
    idx = idx_ref[0]
    pspat = pspat_ref[0]
    jrow = lax.broadcasted_iota(jnp.int32, (N, N), 0)
    E = ((jrow == idx) & (idx >= 0)).astype(jnp.float32)

    def gather(prev):
        return lax.dot_general(E, prev, (((0,), (0,)), ((), ())), precision=HIGHEST,
                               preferred_element_type=jnp.float32)

    nps_ref[0] = gather(pspat)

    h = jnp.maximum(pre_img_ref[0] + gather(z_img_ref[0]) + ib1_ref[...], 0.0)
    h = _dot_t(h, iW2_ref[...]) + ib2_ref[...]
    h = _dot_t(h, iW3_ref[...]) + ib3_ref[...]
    img_o = _ln_rows(h, ig_ref[...], ibe_ref[...])

    h = jnp.maximum(pre_pc_ref[0] + gather(z_pc_ref[0]) + pb1_ref[...], 0.0)
    h = _dot_t(h, pW2_ref[...]) + pb2_ref[...]
    h = _dot_t(h, pW3_ref[...]) + pb3_ref[...]
    pc_o = _ln_rows(h, pg_ref[...], pbe_ref[...])

    fW1 = fW1_ref[...]
    h = jnp.maximum(_dot_t(img_o, fW1[:, :VIS_D]) + _dot_t(pc_o, fW1[:, VIS_D:])
                    + fb1_ref[...], 0.0)
    h = _dot_t(h, fW2_ref[...]) + fb2_ref[...]
    vis_ref[0] = _ln_rows(h, fg_ref[...], fbe_ref[...])


def _fusion_mlp(idx3, pre_img, pre_pc, z_img, z_pc, pspat, weights):
    feat_spec = pl.BlockSpec((1, N, IMG_D), lambda b: (b, 0, 0))
    spat_spec = pl.BlockSpec((1, N, 7), lambda b: (b, 0, 0))
    idx_spec = pl.BlockSpec((1, 1, N), lambda b: (b, 0, 0))
    full = lambda arr: pl.BlockSpec(arr.shape, lambda b: tuple(0 for _ in arr.shape))
    w_specs = [full(w) for w in weights]
    return pl.pallas_call(
        _mlp_body,
        grid=(B,),
        in_specs=[idx_spec, feat_spec, feat_spec, feat_spec, feat_spec, spat_spec] + w_specs,
        out_specs=[pl.BlockSpec((1, N, VIS_D), lambda b: (b, 0, 0)), spat_spec],
        out_shape=[jax.ShapeDtypeStruct((B, N, VIS_D), jnp.float32),
                   jax.ShapeDtypeStruct((B, N, 7), jnp.float32)],
    )(idx3, pre_img, pre_pc, z_img, z_pc, pspat, *weights)


def kernel(image_feature, point_cloud_feature, prev_image_feature, prev_point_cloud_feature, rel_dist_mask, prev_spatial, img_W1, img_b1, img_W2, img_b2, img_W3, img_b3, img_g, img_be, pc_W1, pc_b1, pc_W2, pc_b2, pc_W3, pc_b3, pc_g, pc_be, fus_W1, fus_b1, fus_W2, fus_b2, fus_g, fus_be):
    s0 = _masked_sims(image_feature, point_cloud_feature,
                      prev_image_feature, prev_point_cloud_feature, rel_dist_mask)
    idx3 = _greedy_match(s0)
    pre_img, pre_pc, z_img, z_pc = _premlp(image_feature, point_cloud_feature,
                                           prev_image_feature, prev_point_cloud_feature,
                                           img_W1, pc_W1)
    r2 = lambda v: v.reshape(1, -1)
    weights = (r2(img_b1), img_W2, r2(img_b2), img_W3, r2(img_b3), r2(img_g), r2(img_be),
               r2(pc_b1), pc_W2, r2(pc_b2), pc_W3, r2(pc_b3), r2(pc_g), r2(pc_be),
               fus_W1, r2(fus_b1), fus_W2, r2(fus_b2), r2(fus_g), r2(fus_be))
    vis, nps = _fusion_mlp(idx3, pre_img, pre_pc, z_img, z_pc,
                           prev_spatial, weights)
    return (vis, nps)

# --- scband reference (transcript-rebuilt; emitter-appended) ---
"""Pipeline reference for scband-pointcloud-image-fusion-20933670601444 (READ-ONLY COPY).

The authoritative reference and input builder live on the scoring server;
editing this copy changes nothing except your own understanding.
"""

import jax, jax.numpy as jnp
import numpy as np

B, N = 4, 128
IMG_D = 256
PC_D = 256
VIS_D = 256
THRESH = 0.0


def _match_indices(feat, prev, mask, threshold):
    Bn, Nn, _ = feat.shape
    eps = 1e-8
    fn = feat / jnp.maximum(jnp.linalg.norm(feat, axis=2, keepdims=True), eps)
    pn = prev / jnp.maximum(jnp.linalg.norm(prev, axis=2, keepdims=True), eps)
    sims_all = jnp.einsum(
        "bik,bjk->bij", fn, pn, precision=jax.lax.Precision.HIGHEST
    )

    def per_batch(sims_b, mask_b):
        def body(i, carry):
            idx_b, visited = carry
            valid = mask_b[i] & (~visited)
            s = jnp.where(valid, sims_b[i], -2.0)
            j = jnp.argmax(s)
            ok = (s[j] >= threshold) & (s[j] > -1.0)
            idx_b = idx_b.at[i].set(jnp.where(ok, j.astype(idx_b.dtype), idx_b[i]))
            visited = visited.at[j].set(visited[j] | ok)
            return idx_b, visited

        idx0 = -jnp.ones((Nn,), dtype=jnp.int32)
        vis0 = jnp.zeros((Nn,), dtype=bool)
        idx_b, _ = jax.lax.fori_loop(0, Nn, body, (idx0, vis0))
        return idx_b

    return jax.vmap(per_batch)(sims_all, mask)


def _ln(x, g, b):
    m = jnp.mean(x, axis=-1, keepdims=True)
    v = jnp.mean((x - m) ** 2, axis=-1, keepdims=True)
    return (x - m) / jnp.sqrt(v + 1e-5) * g + b


def _linblock(x, W1, b1, W2, b2):
    h = jnp.maximum(x @ W1.T + b1, 0.0)
    return h @ W2.T + b2


def setup_inputs(seed: int = 0):
    key = jax.random.key(seed)
    ks = jax.random.split(key, 24)
    s = 0.02
    d = {}
    d["image_feature"] = jax.random.normal(ks[0], (B, N, IMG_D), jnp.float32)
    d["point_cloud_feature"] = jax.random.normal(ks[1], (B, N, PC_D), jnp.float32)
    d["prev_image_feature"] = jax.random.normal(ks[2], (B, N, IMG_D), jnp.float32)
    d["prev_point_cloud_feature"] = jax.random.normal(ks[3], (B, N, PC_D), jnp.float32)
    d["rel_dist_mask"] = jax.random.randint(ks[4], (B, N, N), 0, 2).astype(bool)
    d["prev_spatial"] = jax.random.normal(ks[5], (B, N, 7), jnp.float32)
    d["img_W1"] = jax.random.normal(ks[6], (IMG_D, 2 * IMG_D), jnp.float32) * s
    d["img_b1"] = jnp.zeros((IMG_D,), jnp.float32)
    d["img_W2"] = jax.random.normal(ks[7], (IMG_D, IMG_D), jnp.float32) * s
    d["img_b2"] = jnp.zeros((IMG_D,), jnp.float32)
    d["img_W3"] = jax.random.normal(ks[8], (VIS_D, IMG_D), jnp.float32) * s
    d["img_b3"] = jnp.zeros((VIS_D,), jnp.float32)
    d["img_g"] = jnp.ones((VIS_D,), jnp.float32)
    d["img_be"] = jnp.zeros((VIS_D,), jnp.float32)
    d["pc_W1"] = jax.random.normal(ks[9], (PC_D, 2 * PC_D), jnp.float32) * s
    d["pc_b1"] = jnp.zeros((PC_D,), jnp.float32)
    d["pc_W2"] = jax.random.normal(ks[10], (PC_D, PC_D), jnp.float32) * s
    d["pc_b2"] = jnp.zeros((PC_D,), jnp.float32)
    d["pc_W3"] = jax.random.normal(ks[11], (VIS_D, PC_D), jnp.float32) * s
    d["pc_b3"] = jnp.zeros((VIS_D,), jnp.float32)
    d["pc_g"] = jnp.ones((VIS_D,), jnp.float32)
    d["pc_be"] = jnp.zeros((VIS_D,), jnp.float32)
    d["fus_W1"] = jax.random.normal(ks[12], (VIS_D, 2 * VIS_D), jnp.float32) * s
    d["fus_b1"] = jnp.zeros((VIS_D,), jnp.float32)
    d["fus_W2"] = jax.random.normal(ks[13], (VIS_D, VIS_D), jnp.float32) * s
    d["fus_b2"] = jnp.zeros((VIS_D,), jnp.float32)
    d["fus_g"] = jnp.ones((VIS_D,), jnp.float32)
    d["fus_be"] = jnp.zeros((VIS_D,), jnp.float32)
    return d


def reference(image_feature, point_cloud_feature, prev_image_feature, prev_point_cloud_feature, rel_dist_mask, prev_spatial, img_W1, img_b1, img_W2, img_b2, img_W3, img_b3, img_g, img_be, pc_W1, pc_b1, pc_W2, pc_b2, pc_W3, pc_b3, pc_g, pc_be, fus_W1, fus_b1, fus_W2, fus_b2, fus_g, fus_be):
    visual = jnp.concatenate([image_feature, point_cloud_feature], axis=2)
    prev_visual = jnp.concatenate([prev_image_feature, prev_point_cloud_feature], axis=2)
    idx = jnp.asarray(_match_indices(visual, prev_visual, rel_dist_mask, THRESH))
    safe = jnp.maximum(idx, 0)
    matched = (idx >= 0)[:, :, None]
    ordered_prev = jnp.where(matched, jnp.take_along_axis(prev_visual, safe[:, :, None], axis=1), 0.0)
    new_prev_spatial = jnp.where(matched, jnp.take_along_axis(prev_spatial, safe[:, :, None], axis=1), 0.0)
    prev_img = ordered_prev[:, :, :IMG_D]
    prev_pc = ordered_prev[:, :, IMG_D:]
    img_in = jnp.concatenate([image_feature, prev_img], axis=2)
    img = _linblock(img_in, img_W1, img_b1, img_W2, img_b2)
    img = img @ img_W3.T + img_b3
    img = _ln(img, img_g, img_be)
    pc_in = jnp.concatenate([point_cloud_feature, prev_pc], axis=2)
    pc = _linblock(pc_in, pc_W1, pc_b1, pc_W2, pc_b2)
    pc = pc @ pc_W3.T + pc_b3
    pc = _ln(pc, pc_g, pc_be)
    vis = jnp.concatenate([img, pc], axis=2)
    vis = _linblock(vis, fus_W1, fus_b1, fus_W2, fus_b2)
    vis = _ln(vis, fus_g, fus_be)
    return (vis, new_prev_spatial)

if __name__ == "__main__":
    import jax
    _d = setup_inputs()
    print(jax.jit(kernel)(*tuple(_d.values())))

</pallas_src>

<mosaic_0001>
#map = affine_map<(d0, d1) -> (0, 0, 0)>
module attributes {stable_mosaic.version = 14 : i64} {
  func.func @_greedy_body(%arg0: i32, %arg1: i32, %arg2: memref<4x128x128xf32, #tpu.memory_space<hbm>>, %arg3: memref<4x1x128xi32, #tpu.memory_space<hbm>>, %arg4: memref<128x128xf32, #tpu.memory_space<vmem>>, %arg5: memref<128xi32, #tpu.memory_space<vmem>>, %arg6: memref<32xf32, #tpu.memory_space<vmem>>, %arg7: memref<32xi32, #tpu.memory_space<vmem>>) attributes {dimension_semantics = [#tpu.dimension_semantics<core_parallel>, #tpu.dimension_semantics<subcore_parallel>], iteration_bounds = array<i64: 2, 16>, scalar_prefetch = 0 : i64, scratch_operands = 4 : i64, tpu.core_type = #tpu.core_type<sc_vector_subcore>, window_params = [{transform_indices = #map}, {transform_indices = #map}]} {
    %mul3A = arith.constant 2 : i32
    %mul3A_0 = arith.muli %arg1, %mul3A : i32
    %add3A = arith.addi %mul3A_0, %arg0 : i32
    %lt3A = arith.constant 4 : i32
    %lt3A_1 = arith.cmpi slt, %add3A, %lt3A : i32
    %convert_element_type3A = arith.extui %lt3A_1 : i1 to i32
    %cond3A = arith.constant 0 : i32
    %cond3A_2 = arith.cmpi ne, %convert_element_type3A, %cond3A : i32
    scf.if %cond3A_2 {
      "tpu.region"() ({
        %run_scoped3A_43 = tpu.sem_alloc : memref<!tpu.dma_semaphore, #tpu.memory_space<semaphore_mem>>
        %dma_start3A = arith.constant 0 : i32
        %dma_start3A_44 = arith.constant 0 : i32
        %dma_start3A_45 = tpu.memref_slice %arg2[%add3A, %dma_start3A, %dma_start3A_44] : memref<4x128x128xf32, #tpu.memory_space<hbm>> -> memref<1x128x128xf32, #tpu.memory_space<hbm>>
        %dma_start3A_46 = tpu.memref_squeeze %dma_start3A_45 : memref<1x128x128xf32, #tpu.memory_space<hbm>> -> memref<128x128xf32, #tpu.memory_space<hbm>>
        %dma_start3A_47 = arith.constant 0 : i32
        %dma_start3A_48 = arith.constant 0 : i32
        %dma_start3A_49 = tpu.memref_slice %arg2[%add3A, %dma_start3A_47, %dma_start3A_48] : memref<4x128x128xf32, #tpu.memory_space<hbm>> -> memref<1x128x128xf32, #tpu.memory_space<hbm>>
        %dma_start3A_50 = tpu.memref_squeeze %dma_start3A_49 : memref<1x128x128xf32, #tpu.memory_space<hbm>> -> memref<128x128xf32, #tpu.memory_space<hbm>>
        tpu.enqueue_dma source(%dma_start3A_50 : memref<128x128xf32, #tpu.memory_space<hbm>>) target(%arg4 : memref<128x128xf32, #tpu.memory_space<vmem>>) target_semaphore(%run_scoped3A_43 : memref<!tpu.dma_semaphore, #tpu.memory_space<semaphore_mem>>)
        %dma_wait3A = arith.constant 0 : i32
        %dma_wait3A_51 = arith.constant 0 : i32
        %dma_wait3A_52 = tpu.memref_slice %arg2[%add3A, %dma_wait3A, %dma_wait3A_51] : memref<4x128x128xf32, #tpu.memory_space<hbm>> -> memref<1x128x128xf32, #tpu.memory_space<hbm>>
        %dma_wait3A_53 = tpu.memref_squeeze %dma_wait3A_52 : memref<1x128x128xf32, #tpu.memory_space<hbm>> -> memref<128x128xf32, #tpu.memory_space<hbm>>
        %dma_wait3A_54 = arith.constant 0 : i32
        %dma_wait3A_55 = arith.constant 0 : i32
        %dma_wait3A_56 = tpu.memref_slice %arg2[%add3A, %dma_wait3A_54, %dma_wait3A_55] : memref<4x128x128xf32, #tpu.memory_space<hbm>> -> memref<1x128x128xf32, #tpu.memory_space<hbm>>
        %dma_wait3A_57 = tpu.memref_squeeze %dma_wait3A_56 : memref<1x128x128xf32, #tpu.memory_space<hbm>> -> memref<128x128xf32, #tpu.memory_space<hbm>>
        tpu.wait_dma2 semaphore(%run_scoped3A_43 : memref<!tpu.dma_semaphore, #tpu.memory_space<semaphore_mem>>) src(%dma_wait3A_57 : memref<128x128xf32, #tpu.memory_space<hbm>>) dst(%arg4 : memref<128x128xf32, #tpu.memory_space<vmem>>)
        tpu.yield
      }) : () -> ()
      %iota3A = tpu.iota {dimensions = array<i32: 0>} : vector<16xi32>
      %broadcast_in_dim3A = arith.constant 0.000000e+00 : f32
      %broadcast_in_dim3A_3 = vector.broadcast %broadcast_in_dim3A : f32 to vector<16xf32>
      %broadcast_in_dim3A_4 = arith.constant -1 : i32
      %broadcast_in_dim3A_5 = vector.broadcast %broadcast_in_dim3A_4 : i32 to vector<16xi32>
      %scan3A = arith.constant 32767 : i32
      %scan3A_6 = arith.constant 0 : i32
      %scan3A_7 = arith.constant 128 : i32
      %scan3A_8 = arith.addi %scan3A_6, %scan3A_7 : i32
      %scan3A_9 = arith.constant 1 : i32
      %scan3A_10:16 = scf.for %scan3A_43 = %scan3A_6 to %scan3A_8 step %scan3A_9 iter_args(%scan3A_44 = %broadcast_in_dim3A_3, %scan3A_45 = %broadcast_in_dim3A_3, %scan3A_46 = %broadcast_in_dim3A_3, %scan3A_47 = %broadcast_in_dim3A_3, %scan3A_48 = %broadcast_in_dim3A_3, %scan3A_49 = %broadcast_in_dim3A_3, %scan3A_50 = %broadcast_in_dim3A_3, %scan3A_51 = %broadcast_in_dim3A_3, %scan3A_52 = %broadcast_in_dim3A_5, %scan3A_53 = %broadcast_in_dim3A_5, %scan3A_54 = %broadcast_in_dim3A_5, %scan3A_55 = %broadcast_in_dim3A_5, %scan3A_56 = %broadcast_in_dim3A_5, %scan3A_57 = %broadcast_in_dim3A_5, %scan3A_58 = %broadcast_in_dim3A_5, %scan3A_59 = %broadcast_in_dim3A_5) -> (vector<16xf32>, vector<16xf32>, vector<16xf32>, vector<16xf32>, vector<16xf32>, vector<16xf32>, vector<16xf32>, vector<16xf32>, vector<16xi32>, vector<16xi32>, vector<16xi32>, vector<16xi32>, vector<16xi32>, vector<16xi32>, vector<16xi32>, vector<16xi32>)  : i32 {
        %broadcast_in_dim3A_60 = arith.constant -3.000000e+00 : f32
        %broadcast_in_dim3A_61 = vector.broadcast %broadcast_in_dim3A_60 : f32 to vector<16xf32>
        %broadcast_in_dim3A_62 = vector.broadcast %scan3A : i32 to vector<16xi32>
        %get3A = arith.index_cast %scan3A_43 : i32 to index
        %get3A_63 = arith.constant 0 : index
        %get3A_64 = tpu.vector_load %arg4[%get3A, %get3A_63] {strides = array<i32>} : memref<128x128xf32, #tpu.memory_space<vmem>>, vector<1x16xf32>,
        %get3A_65 = vector.shape_cast %get3A_64 : vector<1x16xf32> to vector<16xf32>
        %gt3A = arith.constant 0.000000e+00 : f32
        %gt3A_66 = vector.broadcast %gt3A : f32 to vector<16xf32>
        %gt3A_67 = arith.cmpf ogt, %scan3A_44, %gt3A_66 : vector<16xf32>
        %jit3A = arith.constant -2.000000e+00 : f32
        %broadcast_in_dim3A_68 = vector.broadcast %jit3A : f32 to vector<16xf32>
        %select_n3A = arith.select %gt3A_67, %broadcast_in_dim3A_68, %get3A_65 : vector<16xi1>, vector<16xf32>
        %gt3A_69 = arith.cmpf ogt, %select_n3A, %broadcast_in_dim3A_61 : vector<16xf32>
        %add3A_70 = arith.constant 0 : i32
        %add3A_71 = vector.broadcast %add3A_70 : i32 to vector<16xi32>
        %add3A_72 = arith.addi %iota3A, %add3A_71 : vector<16xi32>
        %select_n3A_73 = arith.select %gt3A_69, %add3A_72, %broadcast_in_dim3A_62 : vector<16xi1>, vector<16xi32>
        %max3A = arith.maximumf %broadcast_in_dim3A_61, %select_n3A : vector<16xf32>
        %get3A_74 = arith.index_cast %scan3A_43 : i32 to index
        %get3A_75 = arith.constant 16 : index
        %get3A_76 = tpu.vector_load %arg4[%get3A_74, %get3A_75] {strides = array<i32>} : memref<128x128xf32, #tpu.memory_space<vmem>>, vector<1x16xf32>,
        %get3A_77 = vector.shape_cast %get3A_76 : vector<1x16xf32> to vector<16xf32>
        %gt3A_78 = arith.constant 0.000000e+00 : f32
        %gt3A_79 = vector.broadcast %gt3A_78 : f32 to vector<16xf32>
        %gt3A_80 = arith.cmpf ogt, %scan3A_45, %gt3A_79 : vector<16xf32>
        %jit3A_81 = arith.constant -2.000000e+00 : f32
        %broadcast_in_dim3A_82 = vector.broadcast %jit3A_81 : f32 to vector<16xf32>
        %select_n3A_83 = arith.select %gt3A_80, %broadcast_in_dim3A_82, %get3A_77 : vector<16xi1>, vector<16xf32>
        %gt3A_84 = arith.cmpf ogt, %select_n3A_83, %max3A : vector<16xf32>
        %add3A_85 = arith.constant 16 : i32
        %add3A_86 = vector.broadcast %add3A_85 : i32 to vector<16xi32>
        %add3A_87 = arith.addi %iota3A, %add3A_86 : vector<16xi32>
        %select_n3A_88 = arith.select %gt3A_84, %add3A_87, %select_n3A_73 : vector<16xi1>, vector<16xi32>
        %max3A_89 = arith.maximumf %max3A, %select_n3A_83 : vector<16xf32>
        %get3A_90 = arith.index_cast %scan3A_43 : i32 to index
        %get3A_91 = arith.constant 32 : index
        %get3A_92 = tpu.vector_load %arg4[%get3A_90, %get3A_91] {strides = array<i32>} : memref<128x128xf32, #tpu.memory_space<vmem>>, vector<1x16xf32>,
        %get3A_93 = vector.shape_cast %get3A_92 : vector<1x16xf32> to vector<16xf32>
        %gt3A_94 = arith.constant 0.000000e+00 : f32
        %gt3A_95 = vector.broadcast %gt3A_94 : f32 to vector<16xf32>
        %gt3A_96 = arith.cmpf ogt, %scan3A_46, %gt3A_95 : vector<16xf32>
        %jit3A_97 = arith.constant -2.000000e+00 : f32
        %broadcast_in_dim3A_98 = vector.broadcast %jit3A_97 : f32 to vector<16xf32>
        %select_n3A_99 = arith.select %gt3A_96, %broadcast_in_dim3A_98, %get3A_93 : vector<16xi1>, vector<16xf32>
        %gt3A_100 = arith.cmpf ogt, %select_n3A_99, %max3A_89 : vector<16xf32>
        %add3A_101 = arith.constant 32 : i32
        %add3A_102 = vector.broadcast %add3A_101 : i32 to vector<16xi32>
        %add3A_103 = arith.addi %iota3A, %add3A_102 : vector<16xi32>
        %select_n3A_104 = arith.select %gt3A_100, %add3A_103, %select_n3A_88 : vector<16xi1>, vector<16xi32>
        %max3A_105 = arith.maximumf %max3A_89, %select_n3A_99 : vector<16xf32>
        %get3A_106 = arith.index_cast %scan3A_43 : i32 to index
        %get3A_107 = arith.constant 48 : index
        %get3A_108 = tpu.vector_load %arg4[%get3A_106, %get3A_107] {strides = array<i32>} : memref<128x128xf32, #tpu.memory_space<vmem>>, vector<1x16xf32>,
        %get3A_109 = vector.shape_cast %get3A_108 : vector<1x16xf32> to vector<16xf32>
        %gt3A_110 = arith.constant 0.000000e+00 : f32
        %gt3A_111 = vector.broadcast %gt3A_110 : f32 to vector<16xf32>
        %gt3A_112 = arith.cmpf ogt, %scan3A_47, %gt3A_111 : vector<16xf32>
        %jit3A_113 = arith.constant -2.000000e+00 : f32
        %broadcast_in_dim3A_114 = vector.broadcast %jit3A_113 : f32 to vector<16xf32>
        %select_n3A_115 = arith.select %gt3A_112, %broadcast_in_dim3A_114, %get3A_109 : vector<16xi1>, vector<16xf32>
        %gt3A_116 = arith.cmpf ogt, %select_n3A_115, %max3A_105 : vector<16xf32>
        %add3A_117 = arith.constant 48 : i32
        %add3A_118 = vector.broadcast %add3A_117 : i32 to vector<16xi32>
        %add3A_119 = arith.addi %iota3A, %add3A_118 : vector<16xi32>
        %select_n3A_120 = arith.select %gt3A_116, %add3A_119, %select_n3A_104 : vector<16xi1>, vector<16xi32>
        %max3A_121 = arith.maximumf %max3A_105, %select_n3A_115 : vector<16xf32>
        %get3A_122 = arith.index_cast %scan3A_43 : i32 to index
        %get3A_123 = arith.constant 64 : index
        %get3A_124 = tpu.vector_load %arg4[%get3A_122, %get3A_123] {strides = array<i32>} : memref<128x128xf32, #tpu.memory_space<vmem>>, vector<1x16xf32>,
        %get3A_125 = vector.shape_cast %get3A_124 : vector<1x16xf32> to vector<16xf32>
        %gt3A_126 = arith.constant 0.000000e+00 : f32
        %gt3A_127 = vector.broadcast %gt3A_126 : f32 to vector<16xf32>
        %gt3A_128 = arith.cmpf ogt, %scan3A_48, %gt3A_127 : vector<16xf32>
        %jit3A_129 = arith.constant -2.000000e+00 : f32
        %broadcast_in_dim3A_130 = vector.broadcast %jit3A_129 : f32 to vector<16xf32>
        %select_n3A_131 = arith.select %gt3A_128, %broadcast_in_dim3A_130, %get3A_125 : vector<16xi1>, vector<16xf32>
        %gt3A_132 = arith.cmpf ogt, %select_n3A_131, %max3A_121 : vector<16xf32>
        %add3A_133 = arith.constant 64 : i32
        %add3A_134 = vector.broadcast %add3A_133 : i32 to vector<16xi32>
        %add3A_135 = arith.addi %iota3A, %add3A_134 : vector<16xi32>
        %select_n3A_136 = arith.select %gt3A_132, %add3A_135, %select_n3A_120 : vector<16xi1>, vector<16xi32>
        %max3A_137 = arith.maximumf %max3A_121, %select_n3A_131 : vector<16xf32>
        %get3A_138 = arith.index_cast %scan3A_43 : i32 to index
        %get3A_139 = arith.constant 80 : index
        %get3A_140 = tpu.vector_load %arg4[%get3A_138, %get3A_139] {strides = array<i32>} : memref<128x128xf32, #tpu.memory_space<vmem>>, vector<1x16xf32>,
        %get3A_141 = vector.shape_cast %get3A_140 : vector<1x16xf32> to vector<16xf32>
        %gt3A_142 = arith.constant 0.000000e+00 : f32
        %gt3A_143 = vector.broadcast %gt3A_142 : f32 to vector<16xf32>
        %gt3A_144 = arith.cmpf ogt, %scan3A_49, %gt3A_143 : vector<16xf32>
        %jit3A_145 = arith.constant -2.000000e+00 : f32
        %broadcast_in_dim3A_146 = vector.broadcast %jit3A_145 : f32 to vector<16xf32>
        %select_n3A_147 = arith.select %gt3A_144, %broadcast_in_dim3A_146, %get3A_141 : vector<16xi1>, vector<16xf32>
        %gt3A_148 = arith.cmpf ogt, %select_n3A_147, %max3A_137 : vector<16xf32>
        %add3A_149 = arith.constant 80 : i32
        %add3A_150 = vector.broadcast %add3A_149 : i32 to vector<16xi32>
        %add3A_151 = arith.addi %iota3A, %add3A_150 : vector<16xi32>
        %select_n3A_152 = arith.select %gt3A_148, %add3A_151, %select_n3A_136 : vector<16xi1>, vector<16xi32>
        %max3A_153 = arith.maximumf %max3A_137, %select_n3A_147 : vector<16xf32>
        %get3A_154 = arith.index_cast %scan3A_43 : i32 to index
        %get3A_155 = arith.constant 96 : index
        %get3A_156 = tpu.vector_load %arg4[%get3A_154, %get3A_155] {strides = array<i32>} : memref<128x128xf32, #tpu.memory_space<vmem>>, vector<1x16xf32>,
        %get3A_157 = vector.shape_cast %get3A_156 : vector<1x16xf32> to vector<16xf32>
        %gt3A_158 = arith.constant 0.000000e+00 : f32
        %gt3A_159 = vector.broadcast %gt3A_158 : f32 to vector<16xf32>
        %gt3A_160 = arith.cmpf ogt, %scan3A_50, %gt3A_159 : vector<16xf32>
        %jit3A_161 = arith.constant -2.000000e+00 : f32
        %broadcast_in_dim3A_162 = vector.broadcast %jit3A_161 : f32 to vector<16xf32>
        %select_n3A_163 = arith.select %gt3A_160, %broadcast_in_dim3A_162, %get3A_157 : vector<16xi1>, vector<16xf32>
        %gt3A_164 = arith.cmpf ogt, %select_n3A_163, %max3A_153 : vector<16xf32>
        %add3A_165 = arith.constant 96 : i32
        %add3A_166 = vector.broadcast %add3A_165 : i32 to vector<16xi32>
        %add3A_167 = arith.addi %iota3A, %add3A_166 : vector<16xi32>
        %select_n3A_168 = arith.select %gt3A_164, %add3A_167, %select_n3A_152 : vector<16xi1>, vector<16xi32>
        %max3A_169 = arith.maximumf %max3A_153, %select_n3A_163 : vector<16xf32>
        %get3A_170 = arith.index_cast %scan3A_43 : i32 to index
        %get3A_171 = arith.constant 112 : index
        %get3A_172 = tpu.vector_load %arg4[%get3A_170, %get3A_171] {strides = array<i32>} : memref<128x128xf32, #tpu.memory_space<vmem>>, vector<1x16xf32>,
        %get3A_173 = vector.shape_cast %get3A_172 : vector<1x16xf32> to vector<16xf32>
        %gt3A_174 = arith.constant 0.000000e+00 : f32
        %gt3A_175 = vector.broadcast %gt3A_174 : f32 to vector<16xf32>
        %gt3A_176 = arith.cmpf ogt, %scan3A_51, %gt3A_175 : vector<16xf32>
        %jit3A_177 = arith.constant -2.000000e+00 : f32
        %broadcast_in_dim3A_178 = vector.broadcast %jit3A_177 : f32 to vector<16xf32>
        %select_n3A_179 = arith.select %gt3A_176, %broadcast_in_dim3A_178, %get3A_173 : vector<16xi1>, vector<16xf32>
        %gt3A_180 = arith.cmpf ogt, %select_n3A_179, %max3A_169 : vector<16xf32>
        %add3A_181 = arith.constant 112 : i32
        %add3A_182 = vector.broadcast %add3A_181 : i32 to vector<16xi32>
        %add3A_183 = arith.addi %iota3A, %add3A_182 : vector<16xi32>
        %select_n3A_184 = arith.select %gt3A_180, %add3A_183, %select_n3A_168 : vector<16xi1>, vector<16xi32>
        %max3A_185 = arith.maximumf %max3A_169, %select_n3A_179 : vector<16xf32>
        %swap3A_186 = arith.constant 0 : index
        %swap3A_187 = tpu.vector_load %arg6[%swap3A_186] {strides = array<i32>} : memref<32xf32, #tpu.memory_space<vmem>>, vector<16xf32>,
        %swap3A_188 = vector.shape_cast %swap3A_187 : vector<16xf32> to vector<16xf32>
        %swap3A_189 = vector.shape_cast %max3A_185 : vector<16xf32> to vector<16xf32>
        tpu.vector_store %arg6[%swap3A_186], %swap3A_189 {strides = array<i32>} : memref<32xf32, #tpu.memory_space<vmem>>, vector<16xf32>,
        %swap3A_190 = arith.constant 16 : index
        %swap3A_191 = tpu.vector_load %arg6[%swap3A_190] {strides = array<i32>} : memref<32xf32, #tpu.memory_space<vmem>>, vector<16xf32>,
        %swap3A_192 = vector.shape_cast %swap3A_191 : vector<16xf32> to vector<16xf32>
        %swap3A_193 = vector.shape_cast %max3A_185 : vector<16xf32> to vector<16xf32>
        tpu.vector_store %arg6[%swap3A_190], %swap3A_193 {strides = array<i32>} : memref<32xf32, #tpu.memory_space<vmem>>, vector<16xf32>,
        %swap3A_194 = arith.constant 0 : index
        %swap3A_195 = tpu.vector_load %arg7[%swap3A_194] {strides = array<i32>} : memref<32xi32, #tpu.memory_space<vmem>>, vector<16xi32>,
        %swap3A_196 = vector.shape_cast %swap3A_195 : vector<16xi32> to vector<16xi32>
        %swap3A_197 = vector.shape_cast %select_n3A_184 : vector<16xi32> to vector<16xi32>
        tpu.vector_store %arg7[%swap3A_194], %swap3A_197 {strides = array<i32>} : memref<32xi32, #tpu.memory_space<vmem>>, vector<16xi32>,
        %swap3A_198 = arith.constant 16 : index
        %swap3A_199 = tpu.vector_load %arg7[%swap3A_198] {strides = array<i32>} : memref<32xi32, #tpu.memory_space<vmem>>, vector<16xi32>,
        %swap3A_200 = vector.shape_cast %swap3A_199 : vector<16xi32> to vector<16xi32>
        %swap3A_201 = vector.shape_cast %select_n3A_184 : vector<16xi32> to vector<16xi32>
        tpu.vector_store %arg7[%swap3A_198], %swap3A_201 {strides = array<i32>} : memref<32xi32, #tpu.memory_space<vmem>>, vector<16xi32>,
        %get3A_202 = arith.constant 8 : index
        %get3A_203 = tpu.vector_load %arg6[%get3A_202] {strides = array<i32>} : memref<32xf32, #tpu.memory_space<vmem>>, vector<16xf32>,
        %get3A_204 = vector.shape_cast %get3A_203 : vector<16xf32> to vector<16xf32>
        %get3A_205 = arith.constant 8 : index
        %get3A_206 = tpu.vector_load %arg7[%get3A_205] {strides = array<i32>} : memref<32xi32, #tpu.memory_space<vmem>>, vector<16xi32>,
        %get3A_207 = vector.shape_cast %get3A_206 : vector<16xi32> to vector<16xi32>
        %gt3A_208 = arith.cmpf ogt, %get3A_204, %max3A_185 : vector<16xf32>
        %eq3A = arith.cmpf oeq, %get3A_204, %max3A_185 : vector<16xf32>
        %lt3A_209 = arith.cmpi slt, %get3A_207, %select_n3A_184 : vector<16xi32>
        %and3A = arith.andi %eq3A, %lt3A_209 : vector<16xi1>
        %or3A = arith.ori %gt3A_208, %and3A : vector<16xi1>
        %select_n3A_210 = arith.select %or3A, %get3A_204, %max3A_185 : vector<16xi1>, vector<16xf32>
        %select_n3A_211 = arith.select %or3A, %get3A_207, %select_n3A_184 : vector<16xi1>, vector<16xi32>
        %swap3A_212 = arith.constant 0 : index
        %swap3A_213 = tpu.vector_load %arg6[%swap3A_212] {strides = array<i32>} : memref<32xf32, #tpu.memory_space<vmem>>, vector<16xf32>,
        %swap3A_214 = vector.shape_cast %swap3A_213 : vector<16xf32> to vector<16xf32>
        %swap3A_215 = vector.shape_cast %select_n3A_210 : vector<16xf32> to vector<16xf32>
        tpu.vector_store %arg6[%swap3A_212], %swap3A_215 {strides = array<i32>} : memref<32xf32, #tpu.memory_space<vmem>>, vector<16xf32>,
        %swap3A_216 = arith.constant 16 : index
        %swap3A_217 = tpu.vector_load %arg6[%swap3A_216] {strides = array<i32>} : memref<32xf32, #tpu.memory_space<vmem>>, vector<16xf32>,
        %swap3A_218 = vector.shape_cast %swap3A_217 : vector<16xf32> to vector<16xf32>
        %swap3A_219 = vector.shape_cast %select_n3A_210 : vector<16xf32> to vector<16xf32>
        tpu.vector_store %arg6[%swap3A_216], %swap3A_219 {strides = array<i32>} : memref<32xf32, #tpu.memory_space<vmem>>, vector<16xf32>,
        %swap3A_220 = arith.constant 0 : index
        %swap3A_221 = tpu.vector_load %arg7[%swap3A_220] {strides = array<i32>} : memref<32xi32, #tpu.memory_space<vmem>>, vector<16xi32>,
        %swap3A_222 = vector.shape_cast %swap3A_221 : vector<16xi32> to vector<16xi32>
        %swap3A_223 = vector.shape_cast %select_n3A_211 : vector<16xi32> to vector<16xi32>
        tpu.vector_store %arg7[%swap3A_220], %swap3A_223 {strides = array<i32>} : memref<32xi32, #tpu.memory_space<vmem>>, vector<16xi32>,
        %swap3A_224 = arith.constant 16 : index
        %swap3A_225 = tpu.vector_load %arg7[%swap3A_224] {strides = array<i32>} : memref<32xi32, #tpu.memory_space<vmem>>, vector<16xi32>,
        %swap3A_226 = vector.shape_cast %swap3A_225 : vector<16xi32> to vector<16xi32>
        %swap3A_227 = vector.shape_cast %select_n3A_211 : vector<16xi32> to vector<16xi32>
        tpu.vector_store %arg7[%swap3A_224], %swap3A_227 {strides = array<i32>} : memref<32xi32, #tpu.memory_space<vmem>>, vector<16xi32>,
        %get3A_228 = arith.constant 4 : index
        %get3A_229 = tpu.vector_load %arg6[%get3A_228] {strides = array<i32>} : memref<32xf32, #tpu.memory_space<vmem>>, vector<16xf32>,
        %get3A_230 = vector.shape_cast %get3A_229 : vector<16xf32> to vector<16xf32>
        %get3A_231 = arith.constant 4 : index
        %get3A_232 = tpu.vector_load %arg7[%get3A_231] {strides = array<i32>} : memref<32xi32, #tpu.memory_space<vmem>>, vector<16xi32>,
        %get3A_233 = vector.shape_cast %get3A_232 : vector<16xi32> to vector<16xi32>
        %gt3A_234 = arith.cmpf ogt, %get3A_230, %select_n3A_210 : vector<16xf32>
        %eq3A_235 = arith.cmpf oeq, %get3A_230, %select_n3A_210 : vector<16xf32>
        %lt3A_236 = arith.cmpi slt, %get3A_233, %select_n3A_211 : vector<16xi32>
        %and3A_237 = arith.andi %eq3A_235, %lt3A_236 : vector<16xi1>
        %or3A_238 = arith.ori %gt3A_234, %and3A_237 : vector<16xi1>
        %select_n3A_239 = arith.select %or3A_238, %get3A_230, %select_n3A_210 : vector<16xi1>, vector<16xf32>
        %select_n3A_240 = arith.select %or3A_238, %get3A_233, %select_n3A_211 : vector<16xi1>, vector<16xi32>
        %swap3A_241 = arith.constant 0 : index
        %swap3A_242 = tpu.vector_load %arg6[%swap3A_241] {strides = array<i32>} : memref<32xf32, #tpu.memory_space<vmem>>, vector<16xf32>,
        %swap3A_243 = vector.shape_cast %swap3A_242 : vector<16xf32> to vector<16xf32>
        %swap3A_244 = vector.shape_cast %select_n3A_239 : vector<16xf32> to vector<16xf32>
        tpu.vector_store %arg6[%swap3A_241], %swap3A_244 {strides = array<i32>} : memref<32xf32, #tpu.memory_space<vmem>>, vector<16xf32>,
        %swap3A_245 = arith.constant 16 : index
        %swap3A_246 = tpu.vector_load %arg6[%swap3A_245] {strides = array<i32>} : memref<32xf32, #tpu.memory_space<vmem>>, vector<16xf32>,
        %swap3A_247 = vector.shape_cast %swap3A_246 : vector<16xf32> to vector<16xf32>
        %swap3A_248 = vector.shape_cast %select_n3A_239 : vector<16xf32> to vector<16xf32>
        tpu.vector_store %arg6[%swap3A_245], %swap3A_248 {strides = array<i32>} : memref<32xf32, #tpu.memory_space<vmem>>, vector<16xf32>,
        %swap3A_249 = arith.constant 0 : index
        %swap3A_250 = tpu.vector_load %arg7[%swap3A_249] {strides = array<i32>} : memref<32xi32, #tpu.memory_space<vmem>>, vector<16xi32>,
        %swap3A_251 = vector.shape_cast %swap3A_250 : vector<16xi32> to vector<16xi32>
        %swap3A_252 = vector.shape_cast %select_n3A_240 : vector<16xi32> to vector<16xi32>
        tpu.vector_store %arg7[%swap3A_249], %swap3A_252 {strides = array<i32>} : memref<32xi32, #tpu.memory_space<vmem>>, vector<16xi32>,
        %swap3A_253 = arith.constant 16 : index
        %swap3A_254 = tpu.vector_load %arg7[%swap3A_253] {strides = array<i32>} : memref<32xi32, #tpu.memory_space<vmem>>, vector<16xi32>,
        %swap3A_255 = vector.shape_cast %swap3A_254 : vector<16xi32> to vector<16xi32>
        %swap3A_256 = vector.shape_cast %select_n3A_240 : vector<16xi32> to vector<16xi32>
        tpu.vector_store %arg7[%swap3A_253], %swap3A_256 {strides = array<i32>} : memref<32xi32, #tpu.memory_space<vmem>>, vector<16xi32>,
        %get3A_257 = arith.constant 2 : index
        %get3A_258 = tpu.vector_load %arg6[%get3A_257] {strides = array<i32>} : memref<32xf32, #tpu.memory_space<vmem>>, vector<16xf32>,
        %get3A_259 = vector.shape_cast %get3A_258 : vector<16xf32> to vector<16xf32>
        %get3A_260 = arith.constant 2 : index
        %get3A_261 = tpu.vector_load %arg7[%get3A_260] {strides = array<i32>} : memref<32xi32, #tpu.memory_space<vmem>>, vector<16xi32>,
        %get3A_262 = vector.shape_cast %get3A_261 : vector<16xi32> to vector<16xi32>
        %gt3A_263 = arith.cmpf ogt, %get3A_259, %select_n3A_239 : vector<16xf32>
        %eq3A_264 = arith.cmpf oeq, %get3A_259, %select_n3A_239 : vector<16xf32>
        %lt3A_265 = arith.cmpi slt, %get3A_262, %select_n3A_240 : vector<16xi32>
        %and3A_266 = arith.andi %eq3A_264, %lt3A_265 : vector<16xi1>
        %or3A_267 = arith.ori %gt3A_263, %and3A_266 : vector<16xi1>
        %select_n3A_268 = arith.select %or3A_267, %get3A_259, %select_n3A_239 : vector<16xi1>, vector<16xf32>
        %select_n3A_269 = arith.select %or3A_267, %get3A_262, %select_n3A_240 : vector<16xi1>, vector<16xi32>
        %swap3A_270 = arith.constant 0 : index
        %swap3A_271 = tpu.vector_load %arg6[%swap3A_270] {strides = array<i32>} : memref<32xf32, #tpu.memory_space<vmem>>, vector<16xf32>,
        %swap3A_272 = vector.shape_cast %swap3A_271 : vector<16xf32> to vector<16xf32>
        %swap3A_273 = vector.shape_cast %select_n3A_268 : vector<16xf32> to vector<16xf32>
        tpu.vector_store %arg6[%swap3A_270], %swap3A_273 {strides = array<i32>} : memref<32xf32, #tpu.memory_space<vmem>>, vector<16xf32>,
        %swap3A_274 = arith.constant 16 : index
        %swap3A_275 = tpu.vector_load %arg6[%swap3A_274] {strides = array<i32>} : memref<32xf32, #tpu.memory_space<vmem>>, vector<16xf32>,
        %swap3A_276 = vector.shape_cast %swap3A_275 : vector<16xf32> to vector<16xf32>
        %swap3A_277 = vector.shape_cast %select_n3A_268 : vector<16xf32> to vector<16xf32>
        tpu.vector_store %arg6[%swap3A_274], %swap3A_277 {strides = array<i32>} : memref<32xf32, #tpu.memory_space<vmem>>, vector<16xf32>,
        %swap3A_278 = arith.constant 0 : index
        %swap3A_279 = tpu.vector_load %arg7[%swap3A_278] {strides = array<i32>} : memref<32xi32, #tpu.memory_space<vmem>>, vector<16xi32>,
        %swap3A_280 = vector.shape_cast %swap3A_279 : vector<16xi32> to vector<16xi32>
        %swap3A_281 = vector.shape_cast %select_n3A_269 : vector<16xi32> to vector<16xi32>
        tpu.vector_store %arg7[%swap3A_278], %swap3A_281 {strides = array<i32>} : memref<32xi32, #tpu.memory_space<vmem>>, vector<16xi32>,
        %swap3A_282 = arith.constant 16 : index
        %swap3A_283 = tpu.vector_load %arg7[%swap3A_282] {strides = array<i32>} : memref<32xi32, #tpu.memory_space<vmem>>, vector<16xi32>,
        %swap3A_284 = vector.shape_cast %swap3A_283 : vector<16xi32> to vector<16xi32>
        %swap3A_285 = vector.shape_cast %select_n3A_269 : vector<16xi32> to vector<16xi32>
        tpu.vector_store %arg7[%swap3A_282], %swap3A_285 {strides = array<i32>} : memref<32xi32, #tpu.memory_space<vmem>>, vector<16xi32>,
        %get3A_286 = arith.constant 1 : index
        %get3A_287 = tpu.vector_load %arg6[%get3A_286] {strides = array<i32>} : memref<32xf32, #tpu.memory_space<vmem>>, vector<16xf32>,
        %get3A_288 = vector.shape_cast %get3A_287 : vector<16xf32> to vector<16xf32>
        %get3A_289 = arith.constant 1 : index
        %get3A_290 = tpu.vector_load %arg7[%get3A_289] {strides = array<i32>} : memref<32xi32, #tpu.memory_space<vmem>>, vector<16xi32>,
        %get3A_291 = vector.shape_cast %get3A_290 : vector<16xi32> to vector<16xi32>
        %gt3A_292 = arith.cmpf ogt, %get3A_288, %select_n3A_268 : vector<16xf32>
        %eq3A_293 = arith.cmpf oeq, %get3A_288, %select_n3A_268 : vector<16xf32>
        %lt3A_294 = arith.cmpi slt, %get3A_291, %select_n3A_269 : vector<16xi32>
        %and3A_295 = arith.andi %eq3A_293, %lt3A_294 : vector<16xi1>
        %or3A_296 = arith.ori %gt3A_292, %and3A_295 : vector<16xi1>
        %select_n3A_297 = arith.select %or3A_296, %get3A_288, %select_n3A_268 : vector<16xi1>, vector<16xf32>
        %select_n3A_298 = arith.select %or3A_296, %get3A_291, %select_n3A_269 : vector<16xi1>, vector<16xi32>
        %ge3A = arith.constant 0.000000e+00 : f32
        %ge3A_299 = vector.broadcast %ge3A : f32 to vector<16xf32>
        %ge3A_300 = arith.cmpf oge, %select_n3A_297, %ge3A_299 : vector<16xf32>
        %broadcast_in_dim3A_301 = vector.broadcast %scan3A : i32 to vector<16xi32>
        %select_n3A_302 = arith.select %ge3A_300, %select_n3A_298, %broadcast_in_dim3A_301 : vector<16xi1>, vector<16xi32>
        %add3A_303 = arith.constant 0 : i32
        %add3A_304 = vector.broadcast %add3A_303 : i32 to vector<16xi32>
        %add3A_305 = arith.addi %iota3A, %add3A_304 : vector<16xi32>
        %eq3A_306 = arith.cmpi eq, %add3A_305, %select_n3A_302 : vector<16xi32>
        %jit3A_307 = arith.constant 1.000000e+00 : f32
        %broadcast_in_dim3A_308 = vector.broadcast %jit3A_307 : f32 to vector<16xf32>
        %select_n3A_309 = arith.select %eq3A_306, %broadcast_in_dim3A_308, %scan3A_44 : vector<16xi1>, vector<16xf32>
        %add3A_310 = arith.constant 16 : i32
        %add3A_311 = vector.broadcast %add3A_310 : i32 to vector<16xi32>
        %add3A_312 = arith.addi %iota3A, %add3A_311 : vector<16xi32>
        %eq3A_313 = arith.cmpi eq, %add3A_312, %select_n3A_302 : vector<16xi32>
        %jit3A_314 = arith.constant 1.000000e+00 : f32
        %broadcast_in_dim3A_315 = vector.broadcast %jit3A_314 : f32 to vector<16xf32>
        %select_n3A_316 = arith.select %eq3A_313, %broadcast_in_dim3A_315, %scan3A_45 : vector<16xi1>, vector<16xf32>
        %add3A_317 = arith.constant 32 : i32
        %add3A_318 = vector.broadcast %add3A_317 : i32 to vector<16xi32>
        %add3A_319 = arith.addi %iota3A, %add3A_318 : vector<16xi32>
        %eq3A_320 = arith.cmpi eq, %add3A_319, %select_n3A_302 : vector<16xi32>
        %jit3A_321 = arith.constant 1.000000e+00 : f32
        %broadcast_in_dim3A_322 = vector.broadcast %jit3A_321 : f32 to vector<16xf32>
        %select_n3A_323 = arith.select %eq3A_320, %broadcast_in_dim3A_322, %scan3A_46 : vector<16xi1>, vector<16xf32>
        %add3A_324 = arith.constant 48 : i32
        %add3A_325 = vector.broadcast %add3A_324 : i32 to vector<16xi32>
        %add3A_326 = arith.addi %iota3A, %add3A_325 : vector<16xi32>
        %eq3A_327 = arith.cmpi eq, %add3A_326, %select_n3A_302 : vector<16xi32>
        %jit3A_328 = arith.constant 1.000000e+00 : f32
        %broadcast_in_dim3A_329 = vector.broadcast %jit3A_328 : f32 to vector<16xf32>
        %select_n3A_330 = arith.select %eq3A_327, %broadcast_in_dim3A_329, %scan3A_47 : vector<16xi1>, vector<16xf32>
        %add3A_331 = arith.constant 64 : i32
        %add3A_332 = vector.broadcast %add3A_331 : i32 to vector<16xi32>
        %add3A_333 = arith.addi %iota3A, %add3A_332 : vector<16xi32>
        %eq3A_334 = arith.cmpi eq, %add3A_333, %select_n3A_302 : vector<16xi32>
        %jit3A_335 = arith.constant 1.000000e+00 : f32
        %broadcast_in_dim3A_336 = vector.broadcast %jit3A_335 : f32 to vector<16xf32>
        %select_n3A_337 = arith.select %eq3A_334, %broadcast_in_dim3A_336, %scan3A_48 : vector<16xi1>, vector<16xf32>
        %add3A_338 = arith.constant 80 : i32
        %add3A_339 = vector.broadcast %add3A_338 : i32 to vector<16xi32>
        %add3A_340 = arith.addi %iota3A, %add3A_339 : vector<16xi32>
        %eq3A_341 = arith.cmpi eq, %add3A_340, %select_n3A_302 : vector<16xi32>
        %jit3A_342 = arith.constant 1.000000e+00 : f32
        %broadcast_in_dim3A_343 = vector.broadcast %jit3A_342 : f32 to vector<16xf32>
        %select_n3A_344 = arith.select %eq3A_341, %broadcast_in_dim3A_343, %scan3A_49 : vector<16xi1>, vector<16xf32>
        %add3A_345 = arith.constant 96 : i32
        %add3A_346 = vector.broadcast %add3A_345 : i32 to vector<16xi32>
        %add3A_347 = arith.addi %iota3A, %add3A_346 : vector<16xi32>
        %eq3A_348 = arith.cmpi eq, %add3A_347, %select_n3A_302 : vector<16xi32>
        %jit3A_349 = arith.constant 1.000000e+00 : f32
        %broadcast_in_dim3A_350 = vector.broadcast %jit3A_349 : f32 to vector<16xf32>
        %select_n3A_351 = arith.select %eq3A_348, %broadcast_in_dim3A_350, %scan3A_50 : vector<16xi1>, vector<16xf32>
        %add3A_352 = arith.constant 112 : i32
        %add3A_353 = vector.broadcast %add3A_352 : i32 to vector<16xi32>
        %add3A_354 = arith.addi %iota3A, %add3A_353 : vector<16xi32>
        %eq3A_355 = arith.cmpi eq, %add3A_354, %select_n3A_302 : vector<16xi32>
        %jit3A_356 = arith.constant 1.000000e+00 : f32
        %broadcast_in_dim3A_357 = vector.broadcast %jit3A_356 : f32 to vector<16xf32>
        %select_n3A_358 = arith.select %eq3A_355, %broadcast_in_dim3A_357, %scan3A_51 : vector<16xi1>, vector<16xf32>
        %add3A_359 = arith.constant 0 : i32
        %add3A_360 = vector.broadcast %add3A_359 : i32 to vector<16xi32>
        %add3A_361 = arith.addi %iota3A, %add3A_360 : vector<16xi32>
        %eq3A_362 = vector.broadcast %scan3A_43 : i32 to vector<16xi32>
        %eq3A_363 = arith.cmpi eq, %add3A_361, %eq3A_362 : vector<16xi32>
        %select_n3A_364 = arith.select %ge3A_300, %select_n3A_298, %broadcast_in_dim3A_5 : vector<16xi1>, vector<16xi32>
        %select_n3A_365 = arith.select %eq3A_363, %select_n3A_364, %scan3A_52 : vector<16xi1>, vector<16xi32>
        %add3A_366 = arith.constant 16 : i32
        %add3A_367 = vector.broadcast %add3A_366 : i32 to vector<16xi32>
        %add3A_368 = arith.addi %iota3A, %add3A_367 : vector<16xi32>
        %eq3A_369 = vector.broadcast %scan3A_43 : i32 to vector<16xi32>
        %eq3A_370 = arith.cmpi eq, %add3A_368, %eq3A_369 : vector<16xi32>
        %select_n3A_371 = arith.select %ge3A_300, %select_n3A_298, %broadcast_in_dim3A_5 : vector<16xi1>, vector<16xi32>
        %select_n3A_372 = arith.select %eq3A_370, %select_n3A_371, %scan3A_53 : vector<16xi1>, vector<16xi32>
        %add3A_373 = arith.constant 32 : i32
        %add3A_374 = vector.broadcast %add3A_373 : i32 to vector<16xi32>
        %add3A_375 = arith.addi %iota3A, %add3A_374 : vector<16xi32>
        %eq3A_376 = vector.broadcast %scan3A_43 : i32 to vector<16xi32>
        %eq3A_377 = arith.cmpi eq, %add3A_375, %eq3A_376 : vector<16xi32>
        %select_n3A_378 = arith.select %ge3A_300, %select_n3A_298, %broadcast_in_dim3A_5 : vector<16xi1>, vector<16xi32>
        %select_n3A_379 = arith.select %eq3A_377, %select_n3A_378, %scan3A_54 : vector<16xi1>, vector<16xi32>
        %add3A_380 = arith.constant 48 : i32
        %add3A_381 = vector.broadcast %add3A_380 : i32 to vector<16xi32>
        %add3A_382 = arith.addi %iota3A, %add3A_381 : vector<16xi32>
        %eq3A_383 = vector.broadcast %scan3A_43 : i32 to vector<16xi32>
        %eq3A_384 = arith.cmpi eq, %add3A_382, %eq3A_383 : vector<16xi32>
        %select_n3A_385 = arith.select %ge3A_300, %select_n3A_298, %broadcast_in_dim3A_5 : vector<16xi1>, vector<16xi32>
        %select_n3A_386 = arith.select %eq3A_384, %select_n3A_385, %scan3A_55 : vector<16xi1>, vector<16xi32>
        %add3A_387 = arith.constant 64 : i32
        %add3A_388 = vector.broadcast %add3A_387 : i32 to vector<16xi32>
        %add3A_389 = arith.addi %iota3A, %add3A_388 : vector<16xi32>
        %eq3A_390 = vector.broadcast %scan3A_43 : i32 to vector<16xi32>
        %eq3A_391 = arith.cmpi eq, %add3A_389, %eq3A_390 : vector<16xi32>
        %select_n3A_392 = arith.select %ge3A_300, %select_n3A_298, %broadcast_in_dim3A_5 : vector<16xi1>, vector<16xi32>
        %select_n3A_393 = arith.select %eq3A_391, %select_n3A_392, %scan3A_56 : vector<16xi1>, vector<16xi32>
        %add3A_394 = arith.constant 80 : i32
        %add3A_395 = vector.broadcast %add3A_394 : i32 to vector<16xi32>
        %add3A_396 = arith.addi %iota3A, %add3A_395 : vector<16xi32>
        %eq3A_397 = vector.broadcast %scan3A_43 : i32 to vector<16xi32>
        %eq3A_398 = arith.cmpi eq, %add3A_396, %eq3A_397 : vector<16xi32>
        %select_n3A_399 = arith.select %ge3A_300, %select_n3A_298, %broadcast_in_dim3A_5 : vector<16xi1>, vector<16xi32>
        %select_n3A_400 = arith.select %eq3A_398, %select_n3A_399, %scan3A_57 : vector<16xi1>, vector<16xi32>
        %add3A_401 = arith.constant 96 : i32
        %add3A_402 = vector.broadcast %add3A_401 : i32 to vector<16xi32>
        %add3A_403 = arith.addi %iota3A, %add3A_402 : vector<16xi32>
        %eq3A_404 = vector.broadcast %scan3A_43 : i32 to vector<16xi32>
        %eq3A_405 = arith.cmpi eq, %add3A_403, %eq3A_404 : vector<16xi32>
        %select_n3A_406 = arith.select %ge3A_300, %select_n3A_298, %broadcast_in_dim3A_5 : vector<16xi1>, vector<16xi32>
        %select_n3A_407 = arith.select %eq3A_405, %select_n3A_406, %scan3A_58 : vector<16xi1>, vector<16xi32>
        %add3A_408 = arith.constant 112 : i32
        %add3A_409 = vector.broadcast %add3A_408 : i32 to vector<16xi32>
        %add3A_410 = arith.addi %iota3A, %add3A_409 : vector<16xi32>
        %eq3A_411 = vector.broadcast %scan3A_43 : i32 to vector<16xi32>
        %eq3A_412 = arith.cmpi eq, %add3A_410, %eq3A_411 : vector<16xi32>
        %select_n3A_413 = arith.select %ge3A_300, %select_n3A_298, %broadcast_in_dim3A_5 : vector<16xi1>, vector<16xi32>
        %select_n3A_414 = arith.select %eq3A_412, %select_n3A_413, %scan3A_59 : vector<16xi1>, vector<16xi32>
        scf.yield %select_n3A_309, %select_n3A_316, %select_n3A_323, %select_n3A_330, %select_n3A_337, %select_n3A_344, %select_n3A_351, %select_n3A_358, %select_n3A_365, %select_n3A_372, %select_n3A_379, %select_n3A_386, %select_n3A_393, %select_n3A_400, %select_n3A_407, %select_n3A_414 : vector<16xf32>, vector<16xf32>, vector<16xf32>, vector<16xf32>, vector<16xf32>, vector<16xf32>, vector<16xf32>, vector<16xf32>, vector<16xi32>, vector<16xi32>, vector<16xi32>, vector<16xi32>, vector<16xi32>, vector<16xi32>, vector<16xi32>, vector<16xi32>
      }
      %scan3A_11 = arith.constant 128 : i32
      %swap3A = arith.constant 0 : index
      %swap3A_12 = tpu.vector_load %arg5[%swap3A] {strides = array<i32>} : memref<128xi32, #tpu.memory_space<vmem>>, vector<16xi32>,
      %swap3A_13 = vector.shape_cast %swap3A_12 : vector<16xi32> to vector<16xi32>
      %swap3A_14 = vector.shape_cast %scan3A_10#8 : vector<16xi32> to vector<16xi32>
      tpu.vector_store %arg5[%swap3A], %swap3A_14 {strides = array<i32>} : memref<128xi32, #tpu.memory_space<vmem>>, vector<16xi32>,
      %swap3A_15 = arith.constant 16 : index
      %swap3A_16 = tpu.vector_load %arg5[%swap3A_15] {strides = array<i32>} : memref<128xi32, #tpu.memory_space<vmem>>, vector<16xi32>,
      %swap3A_17 = vector.shape_cast %swap3A_16 : vector<16xi32> to vector<16xi32>
      %swap3A_18 = vector.shape_cast %scan3A_10#9 : vector<16xi32> to vector<16xi32>
      tpu.vector_store %arg5[%swap3A_15], %swap3A_18 {strides = array<i32>} : memref<128xi32, #tpu.memory_space<vmem>>, vector<16xi32>,
      %swap3A_19 = arith.constant 32 : index
      %swap3A_20 = tpu.vector_load %arg5[%swap3A_19] {strides = array<i32>} : memref<128xi32, #tpu.memory_space<vmem>>, vector<16xi32>,
      %swap3A_21 = vector.shape_cast %swap3A_20 : vector<16xi32> to vector<16xi32>
      %swap3A_22 = vector.shape_cast %scan3A_10#10 : vector<16xi32> to vector<16xi32>
      tpu.vector_store %arg5[%swap3A_19], %swap3A_22 {strides = array<i32>} : memref<128xi32, #tpu.memory_space<vmem>>, vector<16xi32>,
      %swap3A_23 = arith.constant 48 : index
      %swap3A_24 = tpu.vector_load %arg5[%swap3A_23] {strides = array<i32>} : memref<128xi32, #tpu.memory_space<vmem>>, vector<16xi32>,
      %swap3A_25 = vector.shape_cast %swap3A_24 : vector<16xi32> to vector<16xi32>
      %swap3A_26 = vector.shape_cast %scan3A_10#11 : vector<16xi32> to vector<16xi32>
      tpu.vector_store %arg5[%swap3A_23], %swap3A_26 {strides = array<i32>} : memref<128xi32, #tpu.memory_space<vmem>>, vector<16xi32>,
      %swap3A_27 = arith.constant 64 : index
      %swap3A_28 = tpu.vector_load %arg5[%swap3A_27] {strides = array<i32>} : memref<128xi32, #tpu.memory_space<vmem>>, vector<16xi32>,
      %swap3A_29 = vector.shape_cast %swap3A_28 : vector<16xi32> to vector<16xi32>
      %swap3A_30 = vector.shape_cast %scan3A_10#12 : vector<16xi32> to vector<16xi32>
      tpu.vector_store %arg5[%swap3A_27], %swap3A_30 {strides = array<i32>} : memref<128xi32, #tpu.memory_space<vmem>>, vector<16xi32>,
      %swap3A_31 = arith.constant 80 : index
      %swap3A_32 = tpu.vector_load %arg5[%swap3A_31] {strides = array<i32>} : memref<128xi32, #tpu.memory_space<vmem>>, vector<16xi32>,
      %swap3A_33 = vector.shape_cast %swap3A_32 : vector<16xi32> to vector<16xi32>
      %swap3A_34 = vector.shape_cast %scan3A_10#13 : vector<16xi32> to vector<16xi32>
      tpu.vector_store %arg5[%swap3A_31], %swap3A_34 {strides = array<i32>} : memref<128xi32, #tpu.memory_space<vmem>>, vector<16xi32>,
      %swap3A_35 = arith.constant 96 : index
      %swap3A_36 = tpu.vector_load %arg5[%swap3A_35] {strides = array<i32>} : memref<128xi32, #tpu.memory_space<vmem>>, vector<16xi32>,
      %swap3A_37 = vector.shape_cast %swap3A_36 : vector<16xi32> to vector<16xi32>
      %swap3A_38 = vector.shape_cast %scan3A_10#14 : vector<16xi32> to vector<16xi32>
      tpu.vector_store %arg5[%swap3A_35], %swap3A_38 {strides = array<i32>} : memref<128xi32, #tpu.memory_space<vmem>>, vector<16xi32>,
      %swap3A_39 = arith.constant 112 : index
      %swap3A_40 = tpu.vector_load %arg5[%swap3A_39] {strides = array<i32>} : memref<128xi32, #tpu.memory_space<vmem>>, vector<16xi32>,
      %swap3A_41 = vector.shape_cast %swap3A_40 : vector<16xi32> to vector<16xi32>
      %swap3A_42 = vector.shape_cast %scan3A_10#15 : vector<16xi32> to vector<16xi32>
      tpu.vector_store %arg5[%swap3A_39], %swap3A_42 {strides = array<i32>} : memref<128xi32, #tpu.memory_space<vmem>>, vector<16xi32>,
      %run_scoped3A = arith.constant 0 : i32
      "tpu.region"() ({
        %run_scoped3A_43 = tpu.sem_alloc : memref<!tpu.dma_semaphore, #tpu.memory_space<semaphore_mem>>
        %dma_start3A = arith.constant 0 : i32
        %dma_start3A_44 = tpu.memref_slice %arg3[%add3A, %run_scoped3A, %dma_start3A] : memref<4x1x128xi32, #tpu.memory_space<hbm>> -> memref<1x1x128xi32, #tpu.memory_space<hbm>>
        %dma_start3A_45 = tpu.memref_squeeze %dma_start3A_44 : memref<1x1x128xi32, #tpu.memory_space<hbm>> -> memref<128xi32, #tpu.memory_space<hbm>>
        %dma_start3A_46 = arith.constant 0 : i32
        %dma_start3A_47 = tpu.memref_slice %arg3[%add3A, %run_scoped3A, %dma_start3A_46] : memref<4x1x128xi32, #tpu.memory_space<hbm>> -> memref<1x1x128xi32, #tpu.memory_space<hbm>>
        %dma_start3A_48 = tpu.memref_squeeze %dma_start3A_47 : memref<1x1x128xi32, #tpu.memory_space<hbm>> -> memref<128xi32, #tpu.memory_space<hbm>>
        tpu.enqueue_dma source(%arg5 : memref<128xi32, #tpu.memory_space<vmem>>) target(%dma_start3A_48 : memref<128xi32, #tpu.memory_space<hbm>>) target_semaphore(%run_scoped3A_43 : memref<!tpu.dma_semaphore, #tpu.memory_space<semaphore_mem>>)
        %dma_wait3A = arith.constant 0 : i32
        %dma_wait3A_49 = tpu.memref_slice %arg3[%add3A, %run_scoped3A, %dma_wait3A] : memref<4x1x128xi32, #tpu.memory_space<hbm>> -> memref<1x1x128xi32, #tpu.memory_space<hbm>>
        %dma_wait3A_50 = tpu.memref_squeeze %dma_wait3A_49 : memref<1x1x128xi32, #tpu.memory_space<hbm>> -> memref<128xi32, #tpu.memory_space<hbm>>
        %dma_wait3A_51 = arith.constant 0 : i32
        %dma_wait3A_52 = tpu.memref_slice %arg3[%add3A, %run_scoped3A, %dma_wait3A_51] : memref<4x1x128xi32, #tpu.memory_space<hbm>> -> memref<1x1x128xi32, #tpu.memory_space<hbm>>
        %dma_wait3A_53 = tpu.memref_squeeze %dma_wait3A_52 : memref<1x1x128xi32, #tpu.memory_space<hbm>> -> memref<128xi32, #tpu.memory_space<hbm>>
        tpu.wait_dma2 semaphore(%run_scoped3A_43 : memref<!tpu.dma_semaphore, #tpu.memory_space<semaphore_mem>>) src(%arg5 : memref<128xi32, #tpu.memory_space<vmem>>) dst(%dma_wait3A_53 : memref<128xi32, #tpu.memory_space<hbm>>)
        tpu.yield
      }) : () -> ()
    } else {
    }
    return
  }
}

module attributes {stable_mosaic.version = 14 : i64} {
  func.func @_premlp_body(%arg0: i32, %arg1: memref<1x128x256xf32, #tpu.memory_space<vmem>>, %arg2: memref<1x128x256xf32, #tpu.memory_space<vmem>>, %arg3: memref<1x128x256xf32, #tpu.memory_space<vmem>>, %arg4: memref<1x128x256xf32, #tpu.memory_space<vmem>>, %arg5: memref<256x512xf32, #tpu.memory_space<vmem>>, %arg6: memref<256x512xf32, #tpu.memory_space<vmem>>, %arg7: memref<1x128x256xf32, #tpu.memory_space<vmem>>, %arg8: memref<1x128x256xf32, #tpu.memory_space<vmem>>, %arg9: memref<1x128x256xf32, #tpu.memory_space<vmem>>, %arg10: memref<1x128x256xf32, #tpu.memory_space<vmem>>) attributes {dimension_semantics = [#tpu.dimension_semantics<arbitrary>], iteration_bounds = array<i64: 4>, scalar_prefetch = 0 : i64, scratch_operands = 0 : i64, tpu.core_type = #tpu.core_type<tc>, window_params = [{transform_indices = @transform_0, window_bounds = array<i64: 1, 128, 256>}, {transform_indices = @transform_1, window_bounds = array<i64: 1, 128, 256>}, {transform_indices = @transform_2, window_bounds = array<i64: 1, 128, 256>}, {transform_indices = @transform_3, window_bounds = array<i64: 1, 128, 256>}, {pipeline_mode = #tpu.pipeline_mode<synchronous>, transform_indices = @transform_4, window_bounds = array<i64: 256, 512>}, {pipeline_mode = #tpu.pipeline_mode<synchronous>, transform_indices = @transform_5, window_bounds = array<i64: 256, 512>}, {transform_indices = @transform_6, window_bounds = array<i64: 1, 128, 256>}, {transform_indices = @transform_7, window_bounds = array<i64: 1, 128, 256>}, {transform_indices = @transform_8, window_bounds = array<i64: 1, 128, 256>}, {transform_indices = @transform_9, window_bounds = array<i64: 1, 128, 256>}]} {
    %get3A = arith.constant 0 : index
    %get3A_0 = arith.constant 0 : index
    %get3A_1 = vector.load %arg5[%get3A, %get3A_0] : memref<256x512xf32, #tpu.memory_space<vmem>>, vector<256x512xf32>
    %get3A_2 = arith.constant 0 : index
    %get3A_3 = arith.constant 0 : index
    %get3A_4 = vector.load %arg6[%get3A_2, %get3A_3] : memref<256x512xf32, #tpu.memory_space<vmem>>, vector<256x512xf32>
    %get3A_5 = arith.constant 0 : index
    %get3A_6 = arith.constant 0 : index
    %get3A_7 = arith.constant 0 : index
    %get3A_8 = vector.load %arg1[%get3A_5, %get3A_6, %get3A_7] : memref<1x128x256xf32, #tpu.memory_space<vmem>>, vector<1x128x256xf32>
    %get3A_9 = vector.shape_cast %get3A_8 : vector<1x128x256xf32> to vector<128x256xf32>
    %slice3A = vector.extract_strided_slice %get3A_1 {offsets = [0, 0], sizes = [256, 256], strides = [1, 1]} : vector<256x512xf32> to vector<256x256xf32>
    %dot_general3A = arith.constant dense<0.000000e+00> : vector<128x256xf32>
    %dot_general3A_10 = tpu.matmul %get3A_9, %slice3A, %dot_general3A {dimension_numbers = #tpu.dot_dimension_numbers<[1], [1], [0], [0], [0, 0, 1, 0], [], []>, transpose_lhs_hint = false} : vector<128x256xf32>, vector<256x256xf32>, vector<128x256xf32> -> vector<128x256xf32>
    %swap3A = arith.constant 0 : index
    %swap3A_11 = arith.constant 0 : index
    %swap3A_12 = arith.constant 0 : index
    %swap3A_13 = vector.load %arg7[%swap3A, %swap3A_11, %swap3A_12] : memref<1x128x256xf32, #tpu.memory_space<vmem>>, vector<1x128x256xf32>
    %swap3A_14 = vector.shape_cast %swap3A_13 : vector<1x128x256xf32> to vector<128x256xf32>
    %swap3A_15 = vector.shape_cast %dot_general3A_10 : vector<128x256xf32> to vector<1x128x256xf32>
    tpu.vector_store %arg7[%swap3A, %swap3A_11, %swap3A_12], %swap3A_15 {strides = array<i32>} : memref<1x128x256xf32, #tpu.memory_space<vmem>>, vector<1x128x256xf32>,
    %get3A_16 = arith.constant 0 : index
    %get3A_17 = arith.constant 0 : index
    %get3A_18 = arith.constant 0 : index
    %get3A_19 = vector.load %arg2[%get3A_16, %get3A_17, %get3A_18] : memref<1x128x256xf32, #tpu.memory_space<vmem>>, vector<1x128x256xf32>
    %get3A_20 = vector.shape_cast %get3A_19 : vector<1x128x256xf32> to vector<128x256xf32>
    %slice3A_21 = vector.extract_strided_slice %get3A_4 {offsets = [0, 0], sizes = [256, 256], strides = [1, 1]} : vector<256x512xf32> to vector<256x256xf32>
    %dot_general3A_22 = arith.constant dense<0.000000e+00> : vector<128x256xf32>
    %dot_general3A_23 = tpu.matmul %get3A_20, %slice3A_21, %dot_general3A_22 {dimension_numbers = #tpu.dot_dimension_numbers<[1], [1], [0], [0], [0, 0, 1, 0], [], []>, transpose_lhs_hint = false} : vector<128x256xf32>, vector<256x256xf32>, vector<128x256xf32> -> vector<128x256xf32>
    %swap3A_24 = arith.constant 0 : index
    %swap3A_25 = arith.constant 0 : index
    %swap3A_26 = arith.constant 0 : index
    %swap3A_27 = vector.load %arg8[%swap3A_24, %swap3A_25, %swap3A_26] : memref<1x128x256xf32, #tpu.memory_space<vmem>>, vector<1x128x256xf32>
    %swap3A_28 = vector.shape_cast %swap3A_27 : vector<1x128x256xf32> to vector<128x256xf32>
    %swap3A_29 = vector.shape_cast %dot_general3A_23 : vector<128x256xf32> to vector<1x128x256xf32>
    tpu.vector_store %arg8[%swap3A_24, %swap3A_25, %swap3A_26], %swap3A_29 {strides = array<i32>} : memref<1x128x256xf32, #tpu.memory_space<vmem>>, vector<1x128x256xf32>,
    %get3A_30 = arith.constant 0 : index
    %get3A_31 = arith.constant 0 : index
    %get3A_32 = arith.constant 0 : index
    %get3A_33 = vector.load %arg3[%get3A_30, %get3A_31, %get3A_32] : memref<1x128x256xf32, #tpu.memory_space<vmem>>, vector<1x128x256xf32>
    %get3A_34 = vector.shape_cast %get3A_33 : vector<1x128x256xf32> to vector<128x256xf32>
    %slice3A_35 = vector.extract_strided_slice %get3A_1 {offsets = [0, 256], sizes = [256, 256], strides = [1, 1]} : vector<256x512xf32> to vector<256x256xf32>
    %dot_general3A_36 = arith.constant dense<0.000000e+00> : vector<128x256xf32>
    %dot_general3A_37 = tpu.matmul %get3A_34, %slice3A_35, %dot_general3A_36 {dimension_numbers = #tpu.dot_dimension_numbers<[1], [1], [0], [0], [0, 0, 1, 0], [], []>, transpose_lhs_hint = false} : vector<128x256xf32>, vector<256x256xf32>, vector<128x256xf32> -> vector<128x256xf32>
    %swap3A_38 = arith.constant 0 : index
    %swap3A_39 = arith.constant 0 : index
    %swap3A_40 = arith.constant 0 : index
    %swap3A_41 = vector.load %arg9[%swap3A_38, %swap3A_39, %swap3A_40] : memref<1x128x256xf32, #tpu.memory_space<vmem>>, vector<1x128x256xf32>
    %swap3A_42 = vector.shape_cast %swap3A_41 : vector<1x128x256xf32> to vector<128x256xf32>
    %swap3A_43 = vector.shape_cast %dot_general3A_37 : vector<128x256xf32> to vector<1x128x256xf32>
    tpu.vector_store %arg9[%swap3A_38, %swap3A_39, %swap3A_40], %swap3A_43 {strides = array<i32>} : memref<1x128x256xf32, #tpu.memory_space<vmem>>, vector<1x128x256xf32>,
    %get3A_44 = arith.constant 0 : index
    %get3A_45 = arith.constant 0 : index
    %get3A_46 = arith.constant 0 : index
    %get3A_47 = vector.load %arg4[%get3A_44, %get3A_45, %get3A_46] : memref<1x128x256xf32, #tpu.memory_space<vmem>>, vector<1x128x256xf32>
    %get3A_48 = vector.shape_cast %get3A_47 : vector<1x128x256xf32> to vector<128x256xf32>
    %slice3A_49 = vector.extract_strided_slice %get3A_4 {offsets = [0, 256], sizes = [256, 256], strides = [1, 1]} : vector<256x512xf32> to vector<256x256xf32>
    %dot_general3A_50 = arith.constant dense<0.000000e+00> : vector<128x256xf32>
    %dot_general3A_51 = tpu.matmul %get3A_48, %slice3A_49, %dot_general3A_50 {dimension_numbers = #tpu.dot_dimension_numbers<[1], [1], [0], [0], [0, 0, 1, 0], [], []>, transpose_lhs_hint = false} : vector<128x256xf32>, vector<256x256xf32>, vector<128x256xf32> -> vector<128x256xf32>
    %swap3A_52 = arith.constant 0 : index
    %swap3A_53 = arith.constant 0 : index
    %swap3A_54 = arith.constant 0 : index
    %swap3A_55 = vector.load %arg10[%swap3A_52, %swap3A_53, %swap3A_54] : memref<1x128x256xf32, #tpu.memory_space<vmem>>, vector<1x128x256xf32>
    %swap3A_56 = vector.shape_cast %swap3A_55 : vector<1x128x256xf32> to vector<128x256xf32>
    %swap3A_57 = vector.shape_cast %dot_general3A_51 : vector<128x256xf32> to vector<1x128x256xf32>
    tpu.vector_store %arg10[%swap3A_52, %swap3A_53, %swap3A_54], %swap3A_57 {strides = array<i32>} : memref<1x128x256xf32, #tpu.memory_space<vmem>>, vector<1x128x256xf32>,
    return
  }
  func.func @transform_0(%arg0: i32) -> (i32, i32, i32) {
    %c0_i32 = arith.constant 0 : i32
    %c0_i32_0 = arith.constant 0 : i32
    %c0_i32_1 = arith.constant 0 : i32
    return %arg0, %c0_i32, %c0_i32_0 : i32, i32, i32
  }
  func.func @transform_1(%arg0: i32) -> (i32, i32, i32) {
    %c0_i32 = arith.constant 0 : i32
    %c0_i32_0 = arith.constant 0 : i32
    %c0_i32_1 = arith.constant 0 : i32
    return %arg0, %c0_i32, %c0_i32_0 : i32, i32, i32
  }
  func.func @transform_2(%arg0: i32) -> (i32, i32, i32) {
    %c0_i32 = arith.constant 0 : i32
    %c0_i32_0 = arith.constant 0 : i32
    %c0_i32_1 = arith.constant 0 : i32
    return %arg0, %c0_i32, %c0_i32_0 : i32, i32, i32
  }
  func.func @transform_3(%arg0: i32) -> (i32, i32, i32) {
    %c0_i32 = arith.constant 0 : i32
    %c0_i32_0 = arith.constant 0 : i32
    %c0_i32_1 = arith.constant 0 : i32
    return %arg0, %c0_i32, %c0_i32_0 : i32, i32, i32
  }
  func.func @transform_4(%arg0: i32) -> (i32, i32) {
    %c0_i32 = arith.constant 0 : i32
    %c0_i32_0 = arith.constant 0 : i32
    %c0_i32_1 = arith.constant 0 : i32
    return %c0_i32, %c0_i32_0 : i32, i32
  }
  func.func @transform_5(%arg0: i32) -> (i32, i32) {
    %c0_i32 = arith.constant 0 : i32
    %c0_i32_0 = arith.constant 0 : i32
    %c0_i32_1 = arith.constant 0 : i32
    return %c0_i32, %c0_i32_0 : i32, i32
  }
  func.func @transform_6(%arg0: i32) -> (i32, i32, i32) {
    %c0_i32 = arith.constant 0 : i32
    %c0_i32_0 = arith.constant 0 : i32
    %c0_i32_1 = arith.constant 0 : i32
    return %arg0, %c0_i32, %c0_i32_0 : i32, i32, i32
  }
  func.func @transform_7(%arg0: i32) -> (i32, i32, i32) {
    %c0_i32 = arith.constant 0 : i32
    %c0_i32_0 = arith.constant 0 : i32
    %c0_i32_1 = arith.constant 0 : i32
    return %arg0, %c0_i32, %c0_i32_0 : i32, i32, i32
  }
  func.func @transform_8(%arg0: i32) -> (i32, i32, i32) {
    %c0_i32 = arith.constant 0 : i32
    %c0_i32_0 = arith.constant 0 : i32
    %c0_i32_1 = arith.constant 0 : i32
    return %arg0, %c0_i32, %c0_i32_0 : i32, i32, i32
  }
  func.func @transform_9(%arg0: i32) -> (i32, i32, i32) {
    %c0_i32 = arith.constant 0 : i32
    %c0_i32_0 = arith.constant 0 : i32
    %c0_i32_1 = arith.constant 0 : i32
    return %arg0, %c0_i32, %c0_i32_0 : i32, i32, i32
  }
}

module attributes {stable_mosaic.version = 14 : i64} {
  func.func @_sims_body(%arg0: i32, %arg1: memref<1x128x256xf32, #tpu.memory_space<vmem>>, %arg2: memref<1x128x256xf32, #tpu.memory_space<vmem>>, %arg3: memref<1x128x256xf32, #tpu.memory_space<vmem>>, %arg4: memref<1x128x256xf32, #tpu.memory_space<vmem>>, %arg5: memref<1x128x128xi32, #tpu.memory_space<vmem>>, %arg6: memref<1x128x128xf32, #tpu.memory_space<vmem>>) attributes {dimension_semantics = [#tpu.dimension_semantics<arbitrary>], iteration_bounds = array<i64: 4>, scalar_prefetch = 0 : i64, scratch_operands = 0 : i64, tpu.core_type = #tpu.core_type<tc>, window_params = [{transform_indices = @transform_0, window_bounds = array<i64: 1, 128, 256>}, {transform_indices = @transform_1, window_bounds = array<i64: 1, 128, 256>}, {transform_indices = @transform_2, window_bounds = array<i64: 1, 128, 256>}, {transform_indices = @transform_3, window_bounds = array<i64: 1, 128, 256>}, {transform_indices = @transform_4, window_bounds = array<i64: 1, 128, 128>}, {transform_indices = @transform_5, window_bounds = array<i64: 1, 128, 128>}]} {
    %get3A = arith.constant 0 : index
    %get3A_0 = arith.constant 0 : index
    %get3A_1 = arith.constant 0 : index
    %get3A_2 = vector.load %arg1[%get3A, %get3A_0, %get3A_1] : memref<1x128x256xf32, #tpu.memory_space<vmem>>, vector<1x128x256xf32>
    %get3A_3 = vector.shape_cast %get3A_2 : vector<1x128x256xf32> to vector<128x256xf32>
    %get3A_4 = arith.constant 0 : index
    %get3A_5 = arith.constant 0 : index
    %get3A_6 = arith.constant 0 : index
    %get3A_7 = vector.load %arg2[%get3A_4, %get3A_5, %get3A_6] : memref<1x128x256xf32, #tpu.memory_space<vmem>>, vector<1x128x256xf32>
    %get3A_8 = vector.shape_cast %get3A_7 : vector<1x128x256xf32> to vector<128x256xf32>
    %get3A_9 = arith.constant 0 : index
    %get3A_10 = arith.constant 0 : index
    %get3A_11 = arith.constant 0 : index
    %get3A_12 = vector.load %arg3[%get3A_9, %get3A_10, %get3A_11] : memref<1x128x256xf32, #tpu.memory_space<vmem>>, vector<1x128x256xf32>
    %get3A_13 = vector.shape_cast %get3A_12 : vector<1x128x256xf32> to vector<128x256xf32>
    %get3A_14 = arith.constant 0 : index
    %get3A_15 = arith.constant 0 : index
    %get3A_16 = arith.constant 0 : index
    %get3A_17 = vector.load %arg4[%get3A_14, %get3A_15, %get3A_16] : memref<1x128x256xf32, #tpu.memory_space<vmem>>, vector<1x128x256xf32>
    %get3A_18 = vector.shape_cast %get3A_17 : vector<1x128x256xf32> to vector<128x256xf32>
    %mul3A = arith.mulf %get3A_3, %get3A_3 : vector<128x256xf32>
    %reduce_sum3A = arith.constant dense<0.000000e+00> : vector<128xf32>
    %reduce_sum3A_19 = vector.multi_reduction <add>, %mul3A, %reduce_sum3A [1] : vector<128x256xf32> to vector<128xf32>
    %broadcast_in_dim3A = vector.shape_cast %reduce_sum3A_19 : vector<128xf32> to vector<128x1xf32>
    %mul3A_20 = arith.mulf %get3A_8, %get3A_8 : vector<128x256xf32>
    %reduce_sum3A_21 = arith.constant dense<0.000000e+00> : vector<128xf32>
    %reduce_sum3A_22 = vector.multi_reduction <add>, %mul3A_20, %reduce_sum3A_21 [1] : vector<128x256xf32> to vector<128xf32>
    %broadcast_in_dim3A_23 = vector.shape_cast %reduce_sum3A_22 : vector<128xf32> to vector<128x1xf32>
    %add3A = arith.addf %broadcast_in_dim3A, %broadcast_in_dim3A_23 : vector<128x1xf32>
    %mul3A_24 = arith.mulf %get3A_13, %get3A_13 : vector<128x256xf32>
    %reduce_sum3A_25 = arith.constant dense<0.000000e+00> : vector<128xf32>
    %reduce_sum3A_26 = vector.multi_reduction <add>, %mul3A_24, %reduce_sum3A_25 [1] : vector<128x256xf32> to vector<128xf32>
    %broadcast_in_dim3A_27 = vector.shape_cast %reduce_sum3A_26 : vector<128xf32> to vector<128x1xf32>
    %mul3A_28 = arith.mulf %get3A_18, %get3A_18 : vector<128x256xf32>
    %reduce_sum3A_29 = arith.constant dense<0.000000e+00> : vector<128xf32>
    %reduce_sum3A_30 = vector.multi_reduction <add>, %mul3A_28, %reduce_sum3A_29 [1] : vector<128x256xf32> to vector<128xf32>
    %broadcast_in_dim3A_31 = vector.shape_cast %reduce_sum3A_30 : vector<128xf32> to vector<128x1xf32>
    %add3A_32 = arith.addf %broadcast_in_dim3A_27, %broadcast_in_dim3A_31 : vector<128x1xf32>
    %sqrt3A = math.sqrt %add3A : vector<128x1xf32>
    %max3A = arith.constant 9.99999993E-9 : f32
    %max3A_33 = vector.broadcast %max3A : f32 to vector<128x1xf32>
    %max3A_34 = arith.maximumf %sqrt3A, %max3A_33 : vector<128x1xf32>
    %sqrt3A_35 = math.sqrt %add3A_32 : vector<128x1xf32>
    %max3A_36 = arith.constant 9.99999993E-9 : f32
    %max3A_37 = vector.broadcast %max3A_36 : f32 to vector<128x1xf32>
    %max3A_38 = arith.maximumf %sqrt3A_35, %max3A_37 : vector<128x1xf32>
    %div3A = vector.broadcast %max3A_34 : vector<128x1xf32> to vector<128x256xf32>
    %div3A_39 = arith.divf %get3A_3, %div3A : vector<128x256xf32>
    %div3A_40 = vector.broadcast %max3A_34 : vector<128x1xf32> to vector<128x256xf32>
    %div3A_41 = arith.divf %get3A_8, %div3A_40 : vector<128x256xf32>
    %div3A_42 = vector.broadcast %max3A_38 : vector<128x1xf32> to vector<128x256xf32>
    %div3A_43 = arith.divf %get3A_13, %div3A_42 : vector<128x256xf32>
    %div3A_44 = vector.broadcast %max3A_38 : vector<128x1xf32> to vector<128x256xf32>
    %div3A_45 = arith.divf %get3A_18, %div3A_44 : vector<128x256xf32>
    %dot_general3A = arith.constant dense<0.000000e+00> : vector<128x128xf32>
    %dot_general3A_46 = tpu.matmul %div3A_39, %div3A_43, %dot_general3A {dimension_numbers = #tpu.dot_dimension_numbers<[1], [1], [0], [0], [0, 0, 1, 0], [], []>, precision = #tpu.contract_precision<fp32>, transpose_lhs_hint = false} : vector<128x256xf32>, vector<128x256xf32>, vector<128x128xf32> -> vector<128x128xf32>
    %dot_general3A_47 = arith.constant dense<0.000000e+00> : vector<128x128xf32>
    %dot_general3A_48 = tpu.matmul %div3A_41, %div3A_45, %dot_general3A_47 {dimension_numbers = #tpu.dot_dimension_numbers<[1], [1], [0], [0], [0, 0, 1, 0], [], []>, precision = #tpu.contract_precision<fp32>, transpose_lhs_hint = false} : vector<128x256xf32>, vector<128x256xf32>, vector<128x128xf32> -> vector<128x128xf32>
    %add3A_49 = arith.addf %dot_general3A_46, %dot_general3A_48 : vector<128x128xf32>
    %get3A_50 = arith.constant 0 : index
    %get3A_51 = arith.constant 0 : index
    %get3A_52 = arith.constant 0 : index
    %get3A_53 = vector.load %arg5[%get3A_50, %get3A_51, %get3A_52] : memref<1x128x128xi32, #tpu.memory_space<vmem>>, vector<1x128x128xi32>
    %get3A_54 = vector.shape_cast %get3A_53 : vector<1x128x128xi32> to vector<128x128xi32>
    %get3A_55 = arith.constant dense<0> : vector<128x128xi32>
    %get3A_56 = arith.cmpi ne, %get3A_54, %get3A_55 : vector<128x128xi32>
    %jit3A = arith.constant -2.000000e+00 : f32
    %broadcast_in_dim3A_57 = vector.broadcast %jit3A : f32 to vector<128x128xf32>
    %select_n3A = arith.select %get3A_56, %add3A_49, %broadcast_in_dim3A_57 : vector<128x128xi1>, vector<128x128xf32>
    %swap3A = arith.constant 0 : index
    %swap3A_58 = arith.constant 0 : index
    %swap3A_59 = arith.constant 0 : index
    %swap3A_60 = vector.load %arg6[%swap3A, %swap3A_58, %swap3A_59] : memref<1x128x128xf32, #tpu.memory_space<vmem>>, vector<1x128x128xf32>
    %swap3A_61 = vector.shape_cast %swap3A_60 : vector<1x128x128xf32> to vector<128x128xf32>
    %swap3A_62 = vector.shape_cast %select_n3A : vector<128x128xf32> to vector<1x128x128xf32>
    tpu.vector_store %arg6[%swap3A, %swap3A_58, %swap3A_59], %swap3A_62 {strides = array<i32>} : memref<1x128x128xf32, #tpu.memory_space<vmem>>, vector<1x128x128xf32>,
    return
  }
  func.func @transform_0(%arg0: i32) -> (i32, i32, i32) {
    %c0_i32 = arith.constant 0 : i32
    %c0_i32_0 = arith.constant 0 : i32
    %c0_i32_1 = arith.constant 0 : i32
    return %arg0, %c0_i32, %c0_i32_0 : i32, i32, i32
  }
  func.func @transform_1(%arg0: i32) -> (i32, i32, i32) {
    %c0_i32 = arith.constant 0 : i32
    %c0_i32_0 = arith.constant 0 : i32
    %c0_i32_1 = arith.constant 0 : i32
    return %arg0, %c0_i32, %c0_i32_0 : i32, i32, i32
  }
  func.func @transform_2(%arg0: i32) -> (i32, i32, i32) {
    %c0_i32 = arith.constant 0 : i32
    %c0_i32_0 = arith.constant 0 : i32
    %c0_i32_1 = arith.constant 0 : i32
    return %arg0, %c0_i32, %c0_i32_0 : i32, i32, i32
  }
  func.func @transform_3(%arg0: i32) -> (i32, i32, i32) {
    %c0_i32 = arith.constant 0 : i32
    %c0_i32_0 = arith.constant 0 : i32
    %c0_i32_1 = arith.constant 0 : i32
    return %arg0, %c0_i32, %c0_i32_0 : i32, i32, i32
  }
  func.func @transform_4(%arg0: i32) -> (i32, i32, i32) {
    %c0_i32 = arith.constant 0 : i32
    %c0_i32_0 = arith.constant 0 : i32
    %c0_i32_1 = arith.constant 0 : i32
    return %arg0, %c0_i32, %c0_i32_0 : i32, i32, i32
  }
  func.func @transform_5(%arg0: i32) -> (i32, i32, i32) {
    %c0_i32 = arith.constant 0 : i32
    %c0_i32_0 = arith.constant 0 : i32
    %c0_i32_1 = arith.constant 0 : i32
    return %arg0, %c0_i32, %c0_i32_0 : i32, i32, i32
  }
}

module attributes {stable_mosaic.version = 14 : i64} {
  func.func @_mlp_body(%arg0: i32, %arg1: memref<1x1x128xi32, #tpu.memory_space<vmem>>, %arg2: memref<1x128x256xf32, #tpu.memory_space<vmem>>, %arg3: memref<1x128x256xf32, #tpu.memory_space<vmem>>, %arg4: memref<1x128x256xf32, #tpu.memory_space<vmem>>, %arg5: memref<1x128x256xf32, #tpu.memory_space<vmem>>, %arg6: memref<1x128x7xf32, #tpu.memory_space<vmem>>, %arg7: memref<1x256xf32, #tpu.memory_space<vmem>>, %arg8: memref<256x256xf32, #tpu.memory_space<vmem>>, %arg9: memref<1x256xf32, #tpu.memory_space<vmem>>, %arg10: memref<256x256xf32, #tpu.memory_space<vmem>>, %arg11: memref<1x256xf32, #tpu.memory_space<vmem>>, %arg12: memref<1x256xf32, #tpu.memory_space<vmem>>, %arg13: memref<1x256xf32, #tpu.memory_space<vmem>>, %arg14: memref<1x256xf32, #tpu.memory_space<vmem>>, %arg15: memref<256x256xf32, #tpu.memory_space<vmem>>, %arg16: memref<1x256xf32, #tpu.memory_space<vmem>>, %arg17: memref<256x256xf32, #tpu.memory_space<vmem>>, %arg18: memref<1x256xf32, #tpu.memory_space<vmem>>, %arg19: memref<1x256xf32, #tpu.memory_space<vmem>>, %arg20: memref<1x256xf32, #tpu.memory_space<vmem>>, %arg21: memref<256x512xf32, #tpu.memory_space<vmem>>, %arg22: memref<1x256xf32, #tpu.memory_space<vmem>>, %arg23: memref<256x256xf32, #tpu.memory_space<vmem>>, %arg24: memref<1x256xf32, #tpu.memory_space<vmem>>, %arg25: memref<1x256xf32, #tpu.memory_space<vmem>>, %arg26: memref<1x256xf32, #tpu.memory_space<vmem>>, %arg27: memref<1x128x256xf32, #tpu.memory_space<vmem>>, %arg28: memref<1x128x7xf32, #tpu.memory_space<vmem>>) attributes {dimension_semantics = [#tpu.dimension_semantics<arbitrary>], iteration_bounds = array<i64: 4>, scalar_prefetch = 0 : i64, scratch_operands = 0 : i64, tpu.core_type = #tpu.core_type<tc>, window_params = [{transform_indices = @transform_0, window_bounds = array<i64: 1, 1, 128>}, {transform_indices = @transform_1, window_bounds = array<i64: 1, 128, 256>}, {transform_indices = @transform_2, window_bounds = array<i64: 1, 128, 256>}, {transform_indices = @transform_3, window_bounds = array<i64: 1, 128, 256>}, {transform_indices = @transform_4, window_bounds = array<i64: 1, 128, 256>}, {transform_indices = @transform_5, window_bounds = array<i64: 1, 128, 7>}, {pipeline_mode = #tpu.pipeline_mode<synchronous>, transform_indices = @transform_6, window_bounds = array<i64: 1, 256>}, {pipeline_mode = #tpu.pipeline_mode<synchronous>, transform_indices = @transform_7, window_bounds = array<i64: 256, 256>}, {pipeline_mode = #tpu.pipeline_mode<synchronous>, transform_indices = @transform_8, window_bounds = array<i64: 1, 256>}, {pipeline_mode = #tpu.pipeline_mode<synchronous>, transform_indices = @transform_9, window_bounds = array<i64: 256, 256>}, {pipeline_mode = #tpu.pipeline_mode<synchronous>, transform_indices = @transform_10, window_bounds = array<i64: 1, 256>}, {pipeline_mode = #tpu.pipeline_mode<synchronous>, transform_indices = @transform_11, window_bounds = array<i64: 1, 256>}, {pipeline_mode = #tpu.pipeline_mode<synchronous>, transform_indices = @transform_12, window_bounds = array<i64: 1, 256>}, {pipeline_mode = #tpu.pipeline_mode<synchronous>, transform_indices = @transform_13, window_bounds = array<i64: 1, 256>}, {pipeline_mode = #tpu.pipeline_mode<synchronous>, transform_indices = @transform_14, window_bounds = array<i64: 256, 256>}, {pipeline_mode = #tpu.pipeline_mode<synchronous>, transform_indices = @transform_15, window_bounds = array<i64: 1, 256>}, {pipeline_mode = #tpu.pipeline_mode<synchronous>, transform_indices = @transform_16, window_bounds = array<i64: 256, 256>}, {pipeline_mode = #tpu.pipeline_mode<synchronous>, transform_indices = @transform_17, window_bounds = array<i64: 1, 256>}, {pipeline_mode = #tpu.pipeline_mode<synchronous>, transform_indices = @transform_18, window_bounds = array<i64: 1, 256>}, {pipeline_mode = #tpu.pipeline_mode<synchronous>, transform_indices = @transform_19, window_bounds = array<i64: 1, 256>}, {pipeline_mode = #tpu.pipeline_mode<synchronous>, transform_indices = @transform_20, window_bounds = array<i64: 256, 512>}, {pipeline_mode = #tpu.pipeline_mode<synchronous>, transform_indices = @transform_21, window_bounds = array<i64: 1, 256>}, {pipeline_mode = #tpu.pipeline_mode<synchronous>, transform_indices = @transform_22, window_bounds = array<i64: 256, 256>}, {pipeline_mode = #tpu.pipeline_mode<synchronous>, transform_indices = @transform_23, window_bounds = array<i64: 1, 256>}, {pipeline_mode = #tpu.pipeline_mode<synchronous>, transform_indices = @transform_24, window_bounds = array<i64: 1, 256>}, {pipeline_mode = #tpu.pipeline_mode<synchronous>, transform_indices = @transform_25, window_bounds = array<i64: 1, 256>}, {transform_indices = @transform_26, window_bounds = array<i64: 1, 128, 256>}, {transform_indices = @transform_27, window_bounds = array<i64: 1, 128, 7>}]} {
    %get3A = arith.constant 0 : index
    %get3A_0 = arith.constant 0 : index
    %get3A_1 = arith.constant 0 : index
    %get3A_2 = vector.load %arg1[%get3A, %get3A_0, %get3A_1] : memref<1x1x128xi32, #tpu.memory_space<vmem>>, vector<1x1x128xi32>
    %get3A_3 = vector.shape_cast %get3A_2 : vector<1x1x128xi32> to vector<1x128xi32>
    %get3A_4 = arith.constant 0 : index
    %get3A_5 = arith.constant 0 : index
    %get3A_6 = arith.constant 0 : index
    %get3A_7 = vector.load %arg6[%get3A_4, %get3A_5, %get3A_6] : memref<1x128x7xf32, #tpu.memory_space<vmem>>, vector<1x128x7xf32>
    %get3A_8 = vector.shape_cast %get3A_7 : vector<1x128x7xf32> to vector<128x7xf32>
    %iota3A = tpu.iota {dimensions = array<i32: 0>} : vector<128x128xi32>
    %eq3A = vector.broadcast %get3A_3 : vector<1x128xi32> to vector<128x128xi32>
    %eq3A_9 = arith.cmpi eq, %iota3A, %eq3A : vector<128x128xi32>
    %ge3A = arith.constant 0 : i32
    %ge3A_10 = vector.broadcast %ge3A : i32 to vector<1x128xi32>
    %ge3A_11 = arith.cmpi sge, %get3A_3, %ge3A_10 : vector<1x128xi32>
    %and3A = vector.broadcast %ge3A_11 : vector<1x128xi1> to vector<128x128xi1>
    %and3A_12 = arith.andi %eq3A_9, %and3A : vector<128x128xi1>
    %convert_element_type3A = arith.extui %and3A_12 : vector<128x128xi1> to vector<128x128xi32>
    %convert_element_type3A_13 = arith.sitofp %convert_element_type3A : vector<128x128xi32> to vector<128x128xf32>
    %dot_general3A = arith.constant dense<0.000000e+00> : vector<128x7xf32>
    %dot_general3A_14 = tpu.matmul %convert_element_type3A_13, %get3A_8, %dot_general3A {dimension_numbers = #tpu.dot_dimension_numbers<[0], [0], [1], [1], [0, 1, 1, 1], [], []>, precision = #tpu.contract_precision<fp32>, transpose_lhs_hint = false} : vector<128x128xf32>, vector<128x7xf32>, vector<128x7xf32> -> vector<128x7xf32>
    %swap3A = arith.constant 0 : index
    %swap3A_15 = arith.constant 0 : index
    %swap3A_16 = arith.constant 0 : index
    %swap3A_17 = vector.load %arg28[%swap3A, %swap3A_15, %swap3A_16] : memref<1x128x7xf32, #tpu.memory_space<vmem>>, vector<1x128x7xf32>
    %swap3A_18 = vector.shape_cast %swap3A_17 : vector<1x128x7xf32> to vector<128x7xf32>
    %swap3A_19 = vector.shape_cast %dot_general3A_14 : vector<128x7xf32> to vector<1x128x7xf32>
    tpu.vector_store %arg28[%swap3A, %swap3A_15, %swap3A_16], %swap3A_19 {strides = array<i32>} : memref<1x128x7xf32, #tpu.memory_space<vmem>>, vector<1x128x7xf32>,
    %get3A_20 = arith.constant 0 : index
    %get3A_21 = arith.constant 0 : index
    %get3A_22 = arith.constant 0 : index
    %get3A_23 = vector.load %arg2[%get3A_20, %get3A_21, %get3A_22] : memref<1x128x256xf32, #tpu.memory_space<vmem>>, vector<1x128x256xf32>
    %get3A_24 = vector.shape_cast %get3A_23 : vector<1x128x256xf32> to vector<128x256xf32>
    %get3A_25 = arith.constant 0 : index
    %get3A_26 = arith.constant 0 : index
    %get3A_27 = arith.constant 0 : index
    %get3A_28 = vector.load %arg4[%get3A_25, %get3A_26, %get3A_27] : memref<1x128x256xf32, #tpu.memory_space<vmem>>, vector<1x128x256xf32>
    %get3A_29 = vector.shape_cast %get3A_28 : vector<1x128x256xf32> to vector<128x256xf32>
    %dot_general3A_30 = arith.constant dense<0.000000e+00> : vector<128x256xf32>
    %dot_general3A_31 = tpu.matmul %convert_element_type3A_13, %get3A_29, %dot_general3A_30 {dimension_numbers = #tpu.dot_dimension_numbers<[0], [0], [1], [1], [0, 1, 1, 1], [], []>, precision = #tpu.contract_precision<fp32>, transpose_lhs_hint = false} : vector<128x128xf32>, vector<128x256xf32>, vector<128x256xf32> -> vector<128x256xf32>
    %add3A = arith.addf %get3A_24, %dot_general3A_31 : vector<128x256xf32>
    %get3A_32 = arith.constant 0 : index
    %get3A_33 = arith.constant 0 : index
    %get3A_34 = vector.load %arg7[%get3A_32, %get3A_33] : memref<1x256xf32, #tpu.memory_space<vmem>>, vector<1x256xf32>
    %add3A_35 = vector.broadcast %get3A_34 : vector<1x256xf32> to vector<128x256xf32>
    %add3A_36 = arith.addf %add3A, %add3A_35 : vector<128x256xf32>
    %max3A = arith.constant 0.000000e+00 : f32
    %max3A_37 = vector.broadcast %max3A : f32 to vector<128x256xf32>
    %max3A_38 = arith.maximumf %add3A_36, %max3A_37 : vector<128x256xf32>
    %get3A_39 = arith.constant 0 : index
    %get3A_40 = arith.constant 0 : index
    %get3A_41 = vector.load %arg8[%get3A_39, %get3A_40] : memref<256x256xf32, #tpu.memory_space<vmem>>, vector<256x256xf32>
    %dot_general3A_42 = arith.constant dense<0.000000e+00> : vector<128x256xf32>
    %dot_general3A_43 = tpu.matmul %max3A_38, %get3A_41, %dot_general3A_42 {dimension_numbers = #tpu.dot_dimension_numbers<[1], [1], [0], [0], [0, 0, 1, 0], [], []>, transpose_lhs_hint = false} : vector<128x256xf32>, vector<256x256xf32>, vector<128x256xf32> -> vector<128x256xf32>
    %get3A_44 = arith.constant 0 : index
    %get3A_45 = arith.constant 0 : index
    %get3A_46 = vector.load %arg9[%get3A_44, %get3A_45] : memref<1x256xf32, #tpu.memory_space<vmem>>, vector<1x256xf32>
    %add3A_47 = vector.broadcast %get3A_46 : vector<1x256xf32> to vector<128x256xf32>
    %add3A_48 = arith.addf %dot_general3A_43, %add3A_47 : vector<128x256xf32>
    %get3A_49 = arith.constant 0 : index
    %get3A_50 = arith.constant 0 : index
    %get3A_51 = vector.load %arg10[%get3A_49, %get3A_50] : memref<256x256xf32, #tpu.memory_space<vmem>>, vector<256x256xf32>
    %dot_general3A_52 = arith.constant dense<0.000000e+00> : vector<128x256xf32>
    %dot_general3A_53 = tpu.matmul %add3A_48, %get3A_51, %dot_general3A_52 {dimension_numbers = #tpu.dot_dimension_numbers<[1], [1], [0], [0], [0, 0, 1, 0], [], []>, transpose_lhs_hint = false} : vector<128x256xf32>, vector<256x256xf32>, vector<128x256xf32> -> vector<128x256xf32>
    %get3A_54 = arith.constant 0 : index
    %get3A_55 = arith.constant 0 : index
    %get3A_56 = vector.load %arg11[%get3A_54, %get3A_55] : memref<1x256xf32, #tpu.memory_space<vmem>>, vector<1x256xf32>
    %add3A_57 = vector.broadcast %get3A_56 : vector<1x256xf32> to vector<128x256xf32>
    %add3A_58 = arith.addf %dot_general3A_53, %add3A_57 : vector<128x256xf32>
    %get3A_59 = arith.constant 0 : index
    %get3A_60 = arith.constant 0 : index
    %get3A_61 = vector.load %arg12[%get3A_59, %get3A_60] : memref<1x256xf32, #tpu.memory_space<vmem>>, vector<1x256xf32>
    %get3A_62 = arith.constant 0 : index
    %get3A_63 = arith.constant 0 : index
    %get3A_64 = vector.load %arg13[%get3A_62, %get3A_63] : memref<1x256xf32, #tpu.memory_space<vmem>>, vector<1x256xf32>
    %reduce_sum3A = arith.constant dense<0.000000e+00> : vector<128xf32>
    %reduce_sum3A_65 = vector.multi_reduction <add>, %add3A_58, %reduce_sum3A [1] : vector<128x256xf32> to vector<128xf32>
    %broadcast_in_dim3A = vector.shape_cast %reduce_sum3A_65 : vector<128xf32> to vector<128x1xf32>
    %div3A = arith.constant 2.560000e+02 : f32
    %div3A_66 = vector.broadcast %div3A : f32 to vector<128x1xf32>
    %div3A_67 = arith.divf %broadcast_in_dim3A, %div3A_66 : vector<128x1xf32>
    %sub3A = vector.broadcast %div3A_67 : vector<128x1xf32> to vector<128x256xf32>
    %sub3A_68 = arith.subf %add3A_58, %sub3A : vector<128x256xf32>
    %integer_pow3A = arith.mulf %sub3A_68, %sub3A_68 : vector<128x256xf32>
    %reduce_sum3A_69 = arith.constant dense<0.000000e+00> : vector<128xf32>
    %reduce_sum3A_70 = vector.multi_reduction <add>, %integer_pow3A, %reduce_sum3A_69 [1] : vector<128x256xf32> to vector<128xf32>
    %broadcast_in_dim3A_71 = vector.shape_cast %reduce_sum3A_70 : vector<128xf32> to vector<128x1xf32>
    %div3A_72 = arith.constant 2.560000e+02 : f32
    %div3A_73 = vector.broadcast %div3A_72 : f32 to vector<128x1xf32>
    %div3A_74 = arith.divf %broadcast_in_dim3A_71, %div3A_73 : vector<128x1xf32>
    %sub3A_75 = vector.broadcast %div3A_67 : vector<128x1xf32> to vector<128x256xf32>
    %sub3A_76 = arith.subf %add3A_58, %sub3A_75 : vector<128x256xf32>
    %add3A_77 = arith.constant 9.99999974E-6 : f32
    %add3A_78 = vector.broadcast %add3A_77 : f32 to vector<128x1xf32>
    %add3A_79 = arith.addf %div3A_74, %add3A_78 : vector<128x1xf32>
    %sqrt3A = math.sqrt %add3A_79 : vector<128x1xf32>
    %div3A_80 = vector.broadcast %sqrt3A : vector<128x1xf32> to vector<128x256xf32>
    %div3A_81 = arith.divf %sub3A_76, %div3A_80 : vector<128x256xf32>
    %mul3A = vector.broadcast %get3A_61 : vector<1x256xf32> to vector<128x256xf32>
    %mul3A_82 = arith.mulf %div3A_81, %mul3A : vector<128x256xf32>
    %add3A_83 = vector.broadcast %get3A_64 : vector<1x256xf32> to vector<128x256xf32>
    %add3A_84 = arith.addf %mul3A_82, %add3A_83 : vector<128x256xf32>
    %get3A_85 = arith.constant 0 : index
    %get3A_86 = arith.constant 0 : index
    %get3A_87 = arith.constant 0 : index
    %get3A_88 = vector.load %arg3[%get3A_85, %get3A_86, %get3A_87] : memref<1x128x256xf32, #tpu.memory_space<vmem>>, vector<1x128x256xf32>
    %get3A_89 = vector.shape_cast %get3A_88 : vector<1x128x256xf32> to vector<128x256xf32>
    %get3A_90 = arith.constant 0 : index
    %get3A_91 = arith.constant 0 : index
    %get3A_92 = arith.constant 0 : index
    %get3A_93 = vector.load %arg5[%get3A_90, %get3A_91, %get3A_92] : memref<1x128x256xf32, #tpu.memory_space<vmem>>, vector<1x128x256xf32>
    %get3A_94 = vector.shape_cast %get3A_93 : vector<1x128x256xf32> to vector<128x256xf32>
    %dot_general3A_95 = arith.constant dense<0.000000e+00> : vector<128x256xf32>
    %dot_general3A_96 = tpu.matmul %convert_element_type3A_13, %get3A_94, %dot_general3A_95 {dimension_numbers = #tpu.dot_dimension_numbers<[0], [0], [1], [1], [0, 1, 1, 1], [], []>, precision = #tpu.contract_precision<fp32>, transpose_lhs_hint = false} : vector<128x128xf32>, vector<128x256xf32>, vector<128x256xf32> -> vector<128x256xf32>
    %add3A_97 = arith.addf %get3A_89, %dot_general3A_96 : vector<128x256xf32>
    %get3A_98 = arith.constant 0 : index
    %get3A_99 = arith.constant 0 : index
    %get3A_100 = vector.load %arg14[%get3A_98, %get3A_99] : memref<1x256xf32, #tpu.memory_space<vmem>>, vector<1x256xf32>
    %add3A_101 = vector.broadcast %get3A_100 : vector<1x256xf32> to vector<128x256xf32>
    %add3A_102 = arith.addf %add3A_97, %add3A_101 : vector<128x256xf32>
    %max3A_103 = arith.constant 0.000000e+00 : f32
    %max3A_104 = vector.broadcast %max3A_103 : f32 to vector<128x256xf32>
    %max3A_105 = arith.maximumf %add3A_102, %max3A_104 : vector<128x256xf32>
    %get3A_106 = arith.constant 0 : index
    %get3A_107 = arith.constant 0 : index
    %get3A_108 = vector.load %arg15[%get3A_106, %get3A_107] : memref<256x256xf32, #tpu.memory_space<vmem>>, vector<256x256xf32>
    %dot_general3A_109 = arith.constant dense<0.000000e+00> : vector<128x256xf32>
    %dot_general3A_110 = tpu.matmul %max3A_105, %get3A_108, %dot_general3A_109 {dimension_numbers = #tpu.dot_dimension_numbers<[1], [1], [0], [0], [0, 0, 1, 0], [], []>, transpose_lhs_hint = false} : vector<128x256xf32>, vector<256x256xf32>, vector<128x256xf32> -> vector<128x256xf32>
    %get3A_111 = arith.constant 0 : index
    %get3A_112 = arith.constant 0 : index
    %get3A_113 = vector.load %arg16[%get3A_111, %get3A_112] : memref<1x256xf32, #tpu.memory_space<vmem>>, vector<1x256xf32>
    %add3A_114 = vector.broadcast %get3A_113 : vector<1x256xf32> to vector<128x256xf32>
    %add3A_115 = arith.addf %dot_general3A_110, %add3A_114 : vector<128x256xf32>
    %get3A_116 = arith.constant 0 : index
    %get3A_117 = arith.constant 0 : index
    %get3A_118 = vector.load %arg17[%get3A_116, %get3A_117] : memref<256x256xf32, #tpu.memory_space<vmem>>, vector<256x256xf32>
    %dot_general3A_119 = arith.constant dense<0.000000e+00> : vector<128x256xf32>
    %dot_general3A_120 = tpu.matmul %add3A_115, %get3A_118, %dot_general3A_119 {dimension_numbers = #tpu.dot_dimension_numbers<[1], [1], [0], [0], [0, 0, 1, 0], [], []>, transpose_lhs_hint = false} : vector<128x256xf32>, vector<256x256xf32>, vector<128x256xf32> -> vector<128x256xf32>
    %get3A_121 = arith.constant 0 : index
    %get3A_122 = arith.constant 0 : index
    %get3A_123 = vector.load %arg18[%get3A_121, %get3A_122] : memref<1x256xf32, #tpu.memory_space<vmem>>, vector<1x256xf32>
    %add3A_124 = vector.broadcast %get3A_123 : vector<1x256xf32> to vector<128x256xf32>
    %add3A_125 = arith.addf %dot_general3A_120, %add3A_124 : vector<128x256xf32>
    %get3A_126 = arith.constant 0 : index
    %get3A_127 = arith.constant 0 : index
    %get3A_128 = vector.load %arg19[%get3A_126, %get3A_127] : memref<1x256xf32, #tpu.memory_space<vmem>>, vector<1x256xf32>
    %get3A_129 = arith.constant 0 : index
    %get3A_130 = arith.constant 0 : index
    %get3A_131 = vector.load %arg20[%get3A_129, %get3A_130] : memref<1x256xf32, #tpu.memory_space<vmem>>, vector<1x256xf32>
    %reduce_sum3A_132 = arith.constant dense<0.000000e+00> : vector<128xf32>
    %reduce_sum3A_133 = vector.multi_reduction <add>, %add3A_125, %reduce_sum3A_132 [1] : vector<128x256xf32> to vector<128xf32>
    %broadcast_in_dim3A_134 = vector.shape_cast %reduce_sum3A_133 : vector<128xf32> to vector<128x1xf32>
    %div3A_135 = arith.constant 2.560000e+02 : f32
    %div3A_136 = vector.broadcast %div3A_135 : f32 to vector<128x1xf32>
    %div3A_137 = arith.divf %broadcast_in_dim3A_134, %div3A_136 : vector<128x1xf32>
    %sub3A_138 = vector.broadcast %div3A_137 : vector<128x1xf32> to vector<128x256xf32>
    %sub3A_139 = arith.subf %add3A_125, %sub3A_138 : vector<128x256xf32>
    %integer_pow3A_140 = arith.mulf %sub3A_139, %sub3A_139 : vector<128x256xf32>
    %reduce_sum3A_141 = arith.constant dense<0.000000e+00> : vector<128xf32>
    %reduce_sum3A_142 = vector.multi_reduction <add>, %integer_pow3A_140, %reduce_sum3A_141 [1] : vector<128x256xf32> to vector<128xf32>
    %broadcast_in_dim3A_143 = vector.shape_cast %reduce_sum3A_142 : vector<128xf32> to vector<128x1xf32>
    %div3A_144 = arith.constant 2.560000e+02 : f32
    %div3A_145 = vector.broadcast %div3A_144 : f32 to vector<128x1xf32>
    %div3A_146 = arith.divf %broadcast_in_dim3A_143, %div3A_145 : vector<128x1xf32>
    %sub3A_147 = vector.broadcast %div3A_137 : vector<128x1xf32> to vector<128x256xf32>
    %sub3A_148 = arith.subf %add3A_125, %sub3A_147 : vector<128x256xf32>
    %add3A_149 = arith.constant 9.99999974E-6 : f32
    %add3A_150 = vector.broadcast %add3A_149 : f32 to vector<128x1xf32>
    %add3A_151 = arith.addf %div3A_146, %add3A_150 : vector<128x1xf32>
    %sqrt3A_152 = math.sqrt %add3A_151 : vector<128x1xf32>
    %div3A_153 = vector.broadcast %sqrt3A_152 : vector<128x1xf32> to vector<128x256xf32>
    %div3A_154 = arith.divf %sub3A_148, %div3A_153 : vector<128x256xf32>
    %mul3A_155 = vector.broadcast %get3A_128 : vector<1x256xf32> to vector<128x256xf32>
    %mul3A_156 = arith.mulf %div3A_154, %mul3A_155 : vector<128x256xf32>
    %add3A_157 = vector.broadcast %get3A_131 : vector<1x256xf32> to vector<128x256xf32>
    %add3A_158 = arith.addf %mul3A_156, %add3A_157 : vector<128x256xf32>
    %get3A_159 = arith.constant 0 : index
    %get3A_160 = arith.constant 0 : index
    %get3A_161 = vector.load %arg21[%get3A_159, %get3A_160] : memref<256x512xf32, #tpu.memory_space<vmem>>, vector<256x512xf32>
    %slice3A = vector.extract_strided_slice %get3A_161 {offsets = [0, 0], sizes = [256, 256], strides = [1, 1]} : vector<256x512xf32> to vector<256x256xf32>
    %dot_general3A_162 = arith.constant dense<0.000000e+00> : vector<128x256xf32>
    %dot_general3A_163 = tpu.matmul %add3A_84, %slice3A, %dot_general3A_162 {dimension_numbers = #tpu.dot_dimension_numbers<[1], [1], [0], [0], [0, 0, 1, 0], [], []>, transpose_lhs_hint = false} : vector<128x256xf32>, vector<256x256xf32>, vector<128x256xf32> -> vector<128x256xf32>
    %slice3A_164 = vector.extract_strided_slice %get3A_161 {offsets = [0, 256], sizes = [256, 256], strides = [1, 1]} : vector<256x512xf32> to vector<256x256xf32>
    %dot_general3A_165 = arith.constant dense<0.000000e+00> : vector<128x256xf32>
    %dot_general3A_166 = tpu.matmul %add3A_158, %slice3A_164, %dot_general3A_165 {dimension_numbers = #tpu.dot_dimension_numbers<[1], [1], [0], [0], [0, 0, 1, 0], [], []>, transpose_lhs_hint = false} : vector<128x256xf32>, vector<256x256xf32>, vector<128x256xf32> -> vector<128x256xf32>
    %add3A_167 = arith.addf %dot_general3A_163, %dot_general3A_166 : vector<128x256xf32>
    %get3A_168 = arith.constant 0 : index
    %get3A_169 = arith.constant 0 : index
    %get3A_170 = vector.load %arg22[%get3A_168, %get3A_169] : memref<1x256xf32, #tpu.memory_space<vmem>>, vector<1x256xf32>
    %add3A_171 = vector.broadcast %get3A_170 : vector<1x256xf32> to vector<128x256xf32>
    %add3A_172 = arith.addf %add3A_167, %add3A_171 : vector<128x256xf32>
    %max3A_173 = arith.constant 0.000000e+00 : f32
    %max3A_174 = vector.broadcast %max3A_173 : f32 to vector<128x256xf32>
    %max3A_175 = arith.maximumf %add3A_172, %max3A_174 : vector<128x256xf32>
    %get3A_176 = arith.constant 0 : index
    %get3A_177 = arith.constant 0 : index
    %get3A_178 = vector.load %arg23[%get3A_176, %get3A_177] : memref<256x256xf32, #tpu.memory_space<vmem>>, vector<256x256xf32>
    %dot_general3A_179 = arith.constant dense<0.000000e+00> : vector<128x256xf32>
    %dot_general3A_180 = tpu.matmul %max3A_175, %get3A_178, %dot_general3A_179 {dimension_numbers = #tpu.dot_dimension_numbers<[1], [1], [0], [0], [0, 0, 1, 0], [], []>, transpose_lhs_hint = false} : vector<128x256xf32>, vector<256x256xf32>, vector<128x256xf32> -> vector<128x256xf32>
    %get3A_181 = arith.constant 0 : index
    %get3A_182 = arith.constant 0 : index
    %get3A_183 = vector.load %arg24[%get3A_181, %get3A_182] : memref<1x256xf32, #tpu.memory_space<vmem>>, vector<1x256xf32>
    %add3A_184 = vector.broadcast %get3A_183 : vector<1x256xf32> to vector<128x256xf32>
    %add3A_185 = arith.addf %dot_general3A_180, %add3A_184 : vector<128x256xf32>
    %get3A_186 = arith.constant 0 : index
    %get3A_187 = arith.constant 0 : index
    %get3A_188 = vector.load %arg25[%get3A_186, %get3A_187] : memref<1x256xf32, #tpu.memory_space<vmem>>, vector<1x256xf32>
    %get3A_189 = arith.constant 0 : index
    %get3A_190 = arith.constant 0 : index
    %get3A_191 = vector.load %arg26[%get3A_189, %get3A_190] : memref<1x256xf32, #tpu.memory_space<vmem>>, vector<1x256xf32>
    %reduce_sum3A_192 = arith.constant dense<0.000000e+00> : vector<128xf32>
    %reduce_sum3A_193 = vector.multi_reduction <add>, %add3A_185, %reduce_sum3A_192 [1] : vector<128x256xf32> to vector<128xf32>
    %broadcast_in_dim3A_194 = vector.shape_cast %reduce_sum3A_193 : vector<128xf32> to vector<128x1xf32>
    %div3A_195 = arith.constant 2.560000e+02 : f32
    %div3A_196 = vector.broadcast %div3A_195 : f32 to vector<128x1xf32>
    %div3A_197 = arith.divf %broadcast_in_dim3A_194, %div3A_196 : vector<128x1xf32>
    %sub3A_198 = vector.broadcast %div3A_197 : vector<128x1xf32> to vector<128x256xf32>
    %sub3A_199 = arith.subf %add3A_185, %sub3A_198 : vector<128x256xf32>
    %integer_pow3A_200 = arith.mulf %sub3A_199, %sub3A_199 : vector<128x256xf32>
    %reduce_sum3A_201 = arith.constant dense<0.000000e+00> : vector<128xf32>
    %reduce_sum3A_202 = vector.multi_reduction <add>, %integer_pow3A_200, %reduce_sum3A_201 [1] : vector<128x256xf32> to vector<128xf32>
    %broadcast_in_dim3A_203 = vector.shape_cast %reduce_sum3A_202 : vector<128xf32> to vector<128x1xf32>
    %div3A_204 = arith.constant 2.560000e+02 : f32
    %div3A_205 = vector.broadcast %div3A_204 : f32 to vector<128x1xf32>
    %div3A_206 = arith.divf %broadcast_in_dim3A_203, %div3A_205 : vector<128x1xf32>
    %sub3A_207 = vector.broadcast %div3A_197 : vector<128x1xf32> to vector<128x256xf32>
    %sub3A_208 = arith.subf %add3A_185, %sub3A_207 : vector<128x256xf32>
    %add3A_209 = arith.constant 9.99999974E-6 : f32
    %add3A_210 = vector.broadcast %add3A_209 : f32 to vector<128x1xf32>
    %add3A_211 = arith.addf %div3A_206, %add3A_210 : vector<128x1xf32>
    %sqrt3A_212 = math.sqrt %add3A_211 : vector<128x1xf32>
    %div3A_213 = vector.broadcast %sqrt3A_212 : vector<128x1xf32> to vector<128x256xf32>
    %div3A_214 = arith.divf %sub3A_208, %div3A_213 : vector<128x256xf32>
    %mul3A_215 = vector.broadcast %get3A_188 : vector<1x256xf32> to vector<128x256xf32>
    %mul3A_216 = arith.mulf %div3A_214, %mul3A_215 : vector<128x256xf32>
    %add3A_217 = vector.broadcast %get3A_191 : vector<1x256xf32> to vector<128x256xf32>
    %add3A_218 = arith.addf %mul3A_216, %add3A_217 : vector<128x256xf32>
    %swap3A_219 = arith.constant 0 : index
    %swap3A_220 = arith.constant 0 : index
    %swap3A_221 = arith.constant 0 : index
    %swap3A_222 = vector.load %arg27[%swap3A_219, %swap3A_220, %swap3A_221] : memref<1x128x256xf32, #tpu.memory_space<vmem>>, vector<1x128x256xf32>
    %swap3A_223 = vector.shape_cast %swap3A_222 : vector<1x128x256xf32> to vector<128x256xf32>
    %swap3A_224 = vector.shape_cast %add3A_218 : vector<128x256xf32> to vector<1x128x256xf32>
    tpu.vector_store %arg27[%swap3A_219, %swap3A_220, %swap3A_221], %swap3A_224 {strides = array<i32>} : memref<1x128x256xf32, #tpu.memory_space<vmem>>, vector<1x128x256xf32>,
    return
  }
  func.func @transform_0(%arg0: i32) -> (i32, i32, i32) {
    %c0_i32 = arith.constant 0 : i32
    %c0_i32_0 = arith.constant 0 : i32
    %c0_i32_1 = arith.constant 0 : i32
    return %arg0, %c0_i32, %c0_i32_0 : i32, i32, i32
  }
  func.func @transform_1(%arg0: i32) -> (i32, i32, i32) {
    %c0_i32 = arith.constant 0 : i32
    %c0_i32_0 = arith.constant 0 : i32
    %c0_i32_1 = arith.constant 0 : i32
    return %arg0, %c0_i32, %c0_i32_0 : i32, i32, i32
  }
  func.func @transform_2(%arg0: i32) -> (i32, i32, i32) {
    %c0_i32 = arith.constant 0 : i32
    %c0_i32_0 = arith.constant 0 : i32
    %c0_i32_1 = arith.constant 0 : i32
    return %arg0, %c0_i32, %c0_i32_0 : i32, i32, i32
  }
  func.func @transform_3(%arg0: i32) -> (i32, i32, i32) {
    %c0_i32 = arith.constant 0 : i32
    %c0_i32_0 = arith.constant 0 : i32
    %c0_i32_1 = arith.constant 0 : i32
    return %arg0, %c0_i32, %c0_i32_0 : i32, i32, i32
  }
  func.func @transform_4(%arg0: i32) -> (i32, i32, i32) {
    %c0_i32 = arith.constant 0 : i32
    %c0_i32_0 = arith.constant 0 : i32
    %c0_i32_1 = arith.constant 0 : i32
    return %arg0, %c0_i32, %c0_i32_0 : i32, i32, i32
  }
  func.func @transform_5(%arg0: i32) -> (i32, i32, i32) {
    %c0_i32 = arith.constant 0 : i32
    %c0_i32_0 = arith.constant 0 : i32
    %c0_i32_1 = arith.constant 0 : i32
    return %arg0, %c0_i32, %c0_i32_0 : i32, i32, i32
  }
  func.func @transform_6(%arg0: i32) -> (i32, i32) {
    %c0_i32 = arith.constant 0 : i32
    %c0_i32_0 = arith.constant 0 : i32
    %c0_i32_1 = arith.constant 0 : i32
    return %c0_i32, %c0_i32_0 : i32, i32
  }
  func.func @transform_7(%arg0: i32) -> (i32, i32) {
    %c0_i32 = arith.constant 0 : i32
    %c0_i32_0 = arith.constant 0 : i32
    %c0_i32_1 = arith.constant 0 : i32
    return %c0_i32, %c0_i32_0 : i32, i32
  }
  func.func @transform_8(%arg0: i32) -> (i32, i32) {
    %c0_i32 = arith.constant 0 : i32
    %c0_i32_0 = arith.constant 0 : i32
    %c0_i32_1 = arith.constant 0 : i32
    return %c0_i32, %c0_i32_0 : i32, i32
  }
  func.func @transform_9(%arg0: i32) -> (i32, i32) {
    %c0_i32 = arith.constant 0 : i32
    %c0_i32_0 = arith.constant 0 : i32
    %c0_i32_1 = arith.constant 0 : i32
    return %c0_i32, %c0_i32_0 : i32, i32
  }
  func.func @transform_10(%arg0: i32) -> (i32, i32) {
    %c0_i32 = arith.constant 0 : i32
    %c0_i32_0 = arith.constant 0 : i32
    %c0_i32_1 = arith.constant 0 : i32
    return %c0_i32, %c0_i32_0 : i32, i32
  }
  func.func @transform_11(%arg0: i32) -> (i32, i32) {
    %c0_i32 = arith.constant 0 : i32
    %c0_i32_0 = arith.constant 0 : i32
    %c0_i32_1 = arith.constant 0 : i32
    return %c0_i32, %c0_i32_0 : i32, i32
  }
  func.func @transform_12(%arg0: i32) -> (i32, i32) {
    %c0_i32 = arith.constant 0 : i32
    %c0_i32_0 = arith.constant 0 : i32
    %c0_i32_1 = arith.constant 0 : i32
    return %c0_i32, %c0_i32_0 : i32, i32
  }
  func.func @transform_13(%arg0: i32) -> (i32, i32) {
    %c0_i32 = arith.constant 0 : i32
    %c0_i32_0 = arith.constant 0 : i32
    %c0_i32_1 = arith.constant 0 : i32
    return %c0_i32, %c0_i32_0 : i32, i32
  }
  func.func @transform_14(%arg0: i32) -> (i32, i32) {
    %c0_i32 = arith.constant 0 : i32
    %c0_i32_0 = arith.constant 0 : i32
    %c0_i32_1 = arith.constant 0 : i32
    return %c0_i32, %c0_i32_0 : i32, i32
  }
  func.func @transform_15(%arg0: i32) -> (i32, i32) {
    %c0_i32 = arith.constant 0 : i32
    %c0_i32_0 = arith.constant 0 : i32
    %c0_i32_1 = arith.constant 0 : i32
    return %c0_i32, %c0_i32_0 : i32, i32
  }
  func.func @transform_16(%arg0: i32) -> (i32, i32) {
    %c0_i32 = arith.constant 0 : i32
    %c0_i32_0 = arith.constant 0 : i32
    %c0_i32_1 = arith.constant 0 : i32
    return %c0_i32, %c0_i32_0 : i32, i32
  }
  func.func @transform_17(%arg0: i32) -> (i32, i32) {
    %c0_i32 = arith.constant 0 : i32
    %c0_i32_0 = arith.constant 0 : i32
    %c0_i32_1 = arith.constant 0 : i32
    return %c0_i32, %c0_i32_0 : i32, i32
  }
  func.func @transform_18(%arg0: i32) -> (i32, i32) {
    %c0_i32 = arith.constant 0 : i32
    %c0_i32_0 = arith.constant 0 : i32
    %c0_i32_1 = arith.constant 0 : i32
    return %c0_i32, %c0_i32_0 : i32, i32
  }
  func.func @transform_19(%arg0: i32) -> (i32, i32) {
    %c0_i32 = arith.constant 0 : i32
    %c0_i32_0 = arith.constant 0 : i32
    %c0_i32_1 = arith.constant 0 : i32
    return %c0_i32, %c0_i32_0 : i32, i32
  }
  func.func @transform_20(%arg0: i32) -> (i32, i32) {
    %c0_i32 = arith.constant 0 : i32
    %c0_i32_0 = arith.constant 0 : i32
    %c0_i32_1 = arith.constant 0 : i32
    return %c0_i32, %c0_i32_0 : i32, i32
  }
  func.func @transform_21(%arg0: i32) -> (i32, i32) {
    %c0_i32 = arith.constant 0 : i32
    %c0_i32_0 = arith.constant 0 : i32
    %c0_i32_1 = arith.constant 0 : i32
    return %c0_i32, %c0_i32_0 : i32, i32
  }
  func.func @transform_22(%arg0: i32) -> (i32, i32) {
    %c0_i32 = arith.constant 0 : i32
    %c0_i32_0 = arith.constant 0 : i32
    %c0_i32_1 = arith.constant 0 : i32
    return %c0_i32, %c0_i32_0 : i32, i32
  }
  func.func @transform_23(%arg0: i32) -> (i32, i32) {
    %c0_i32 = arith.constant 0 : i32
    %c0_i32_0 = arith.constant 0 : i32
    %c0_i32_1 = arith.constant 0 : i32
    return %c0_i32, %c0_i32_0 : i32, i32
  }
  func.func @transform_24(%arg0: i32) -> (i32, i32) {
    %c0_i32 = arith.constant 0 : i32
    %c0_i32_0 = arith.constant 0 : i32
    %c0_i32_1 = arith.constant 0 : i32
    return %c0_i32, %c0_i32_0 : i32, i32
  }
  func.func @transform_25(%arg0: i32) -> (i32, i32) {
    %c0_i32 = arith.constant 0 : i32
    %c0_i32_0 = arith.constant 0 : i32
    %c0_i32_1 = arith.constant 0 : i32
    return %c0_i32, %c0_i32_0 : i32, i32
  }
  func.func @transform_26(%arg0: i32) -> (i32, i32, i32) {
    %c0_i32 = arith.constant 0 : i32
    %c0_i32_0 = arith.constant 0 : i32
    %c0_i32_1 = arith.constant 0 : i32
    return %arg0, %c0_i32, %c0_i32_0 : i32, i32, i32
  }
  func.func @transform_27(%arg0: i32) -> (i32, i32, i32) {
    %c0_i32 = arith.constant 0 : i32
    %c0_i32_0 = arith.constant 0 : i32
    %c0_i32_1 = arith.constant 0 : i32
    return %arg0, %c0_i32, %c0_i32_0 : i32, i32, i32
  }
}

</mosaic_0001>

<sc_bundles>
// kernel: kernel.6.cloned.1.call-start
scs
__scs_entry_jumppad:
0x0: {  	(pc) =	sbr.rel $0x88, $3  }
0x1: {  	(tag) =	ssettag $0x0;
	lr =	simm.s32 $0x1  }
0x2: {  	[smem:$0x3F85] =	sst lr;
	_ =	strace $0xD0000000  }
0x3: {  	_ = 	snop  }
0x4: {  	_ = 	snop  }
0x5: {  	_ = 	snop  }
0x6: {  	_ = 	snop  }
0x7: {  	_ = 	snop  }
__scs_overlays_trampoline_lowered:
0x8: {  	[smem:$0x3F94] =	sst s0  }
0x9: {  	[smem:$0x3F95] =	sst s1  }
0xa: {  	[smem:$0x3F96] =	sst s2  }
0xb: {  	[smem:$0x3F97] =	sst s3  }
0xc: {  	[smem:$0x3F98] =	sst s4  }
0xd: {  	[smem:$0x3F99] =	sst s5  }
0xe: {  	[smem:$0x3F9A] =	sst s6  }
0xf: {  	[smem:$0x3F9B] =	sst s7  }
0x10: {  	[smem:$0x3F9C] =	sst s8  }
0x11: {  	[smem:$0x3F9D] =	sst s9;
	s0 =	simm.s32 @!p0 $0x0  }
0x12: {  	s1 =	sld [smem:$0x3F83];
	s0 =	simm.s32 @p0 $0x1  }
0x13: {  	[smem:$0x3F9E] =	sst s0;
	s0 =	simm.s32 @!p1 $0x0  }
0x14: {  	s2 =	sld [smem:$0x3F82];
	s0 =	simm.s32 @p1 $0x1  }
0x15: {  	[smem:$0x3F9F] =	sst s0;
	s0 =	simm.s32 @!p2 $0x0  }
0x16: {  	s3 =	sld [smem:$0x3FDB];
	s0 =	simm.s32 @p2 $0x1  }
0x17: {  	s4 =	simm.s32 $0x1BF5;
	[smem:$0x3FA1] =	sst s0  }
0x18: {  	s0 =	sld [smem:$0x3F84];
	_ =	swait.ge [sflag:s4], $0x0  }
0x19: {  	s7 =	sld [smem:$0x3F85]  }
0x1a: {  	s8 =	sadd.s32 $0xFFFFE003, lr  }
0x1b: {  	s9 =	sadd.s32 $0xFFFFFEF7, lr;
	s5 =	simm.s32 $0xFFFFFFFF;
	p2 =	slt.u32 s8, $0xFFFFF086  }
0x1c: {  	p1 =	slt.u32 s9, $0xF7A;
	s5 =	simm.s32 @!p2 $0x0  }
0x1d: {  	s5 =	simm.s32 @p1 $0x1;
	p0 =	seq.s32 s7, s2  }
0x1e: {  	s7 =	smul.u32 @!p0 $0xF7A, s2;
	p2 =	seq.s32 @!p0 s5, $0x0  }
0x1f: {  	s9 =	smul.u32 $0xF7A, s1;
	s8 =	simm.s32 @!p0 $0x1BF5;
	p2 =	por !p2, p0  }
0x20: {  	[sflag:s8] =	ssyncset.s32 @!p0 $0xFFFFF086;
	s6 =	sadd.s32 @!p0 s3, s7;
	s7 =	simm.s32 @!p0 $0x108  }
0x21: {  	s3 =	sadd.s32 s3, s9;
	s6 =	sadd.s32 @!p0 $0x88, s6;
	s7 =	simm.s32 @p2 $0x1082  }
0x22: {  	[simem:s7], [sflag:s8] =	dma.local @!p0 [hbm:s6], $0xF7A  }
0x23: {  	s9 =	sor.u32 $0xD0000000, s2;
	s6 =	simm.s32 $0x108;
	_ =	swait.ge @!p0 [sflag:s8], $0x0  }
0x24: {  	s3 =	sadd.s32 $0x88, s3;
	s6 =	simm.s32 @!p1 $0x1082;
	[sflag:s4] =	ssyncset.s32 $0xFFFFF086  }
0x25: {  	[simem:s6], [sflag:s4] =	dma.local [hbm:s3], $0xF7A  }
0x26: {  	[smem:$0x3F85] =	sst s1;
	(tag) =	ssettag s2;
	_ =	strace s9  }
0x27: {  	s1 =	sld [smem:$0x3F95]  }
0x28: {  	s2 =	sld [smem:$0x3F96]  }
0x29: {  	s4 =	sld [smem:$0x3F98]  }
0x2a: {  	p0 =	seq.s32 s5, $0x0;
	s5 =	sld [smem:$0x3F99]  }
0x2b: {  	s6 =	sld [smem:$0x3F9A]  }
0x2c: {  	s7 =	sld [smem:$0x3F9B]  }
0x2d: {  	s3 =	simm.s32 $0x108;
	s8 =	sld [smem:$0x3F9C]  }
0x2e: {  	s3 =	simm.s32 @!p0 $0x1082;
	s9 =	sld [smem:$0x3F9D]  }
0x2f: {  	lr =	sadd.s32 s0, s3;
	s0 =	sld [smem:$0x3F94]  }
0x30: {  	s3 =	sld [smem:$0x3F97]  }
0x31: {  	[smem:$0x3FA0] =	sst s10  }
0x32: {  	s10 =	sld [smem:$0x3F9E];
	_ =	sdelay $0x3  }
0x33: {  	p0 =	seq.s32 s10, $0x1;
	s10 =	sld [smem:$0x3FA0];
	_ =	sdelay $0x3  }
0x34: {  	[smem:$0x3FA0] =	sst s10  }
0x35: {  	s10 =	sld [smem:$0x3F9F];
	_ =	sdelay $0x3  }
0x36: {  	p1 =	seq.s32 s10, $0x1;
	s10 =	sld [smem:$0x3FA0];
	_ =	sdelay $0x3  }
0x37: {  	[smem:$0x3FA0] =	sst s10  }
0x38: {  	s10 =	sld [smem:$0x3FA1]  }
0x39: {  	_ = 	snop;
	(pc) =	sbr.ind lr, $3  }
0x3a: {  	_ = 	snop  }
0x3b: {  	_ = 	snop  }
0x3c: {  	p2 =	seq.s32 s10, $0x1;
	s10 =	sld [smem:$0x3FA0]  }
0x3d: {  	_ =	shalt  }
0x3e: {  	_ =	shalt  }
0x3f: {  	_ =	shalt  }
0x40: {  	_ =	shalt  }
0x41: {  	_ =	shalt  }
0x42: {  	_ =	shalt  }
0x43: {  	_ =	shalt  }
0x44: {  	_ =	shalt  }
0x45: {  	_ =	shalt  }
0x46: {  	_ =	shalt  }
0x47: {  	_ =	shalt  }
0x48: {  	_ =	shalt  }
0x49: {  	_ =	shalt  }
0x4a: {  	_ =	shalt  }
0x4b: {  	_ =	shalt  }
0x4c: {  	_ =	shalt  }
0x4d: {  	_ =	shalt  }
0x4e: {  	_ =	shalt  }
0x4f: {  	_ =	shalt  }
0x50: {  	_ =	shalt  }
0x51: {  	_ =	shalt  }
0x52: {  	_ =	shalt  }
0x53: {  	_ =	shalt  }
0x54: {  	_ =	shalt  }
0x55: {  	_ =	shalt  }
0x56: {  	_ =	shalt  }
0x57: {  	_ =	shalt  }
0x58: {  	_ =	shalt  }
0x59: {  	_ =	shalt  }
0x5a: {  	_ =	shalt  }
0x5b: {  	_ =	shalt  }
0x5c: {  	_ =	shalt  }
0x5d: {  	_ =	shalt  }
0x5e: {  	_ =	shalt  }
0x5f: {  	_ =	shalt  }
0x60: {  	_ =	shalt  }
0x61: {  	_ =	shalt  }
0x62: {  	_ =	shalt  }
0x63: {  	_ =	shalt  }
0x64: {  	_ =	shalt  }
0x65: {  	_ =	shalt  }
0x66: {  	_ =	shalt  }
0x67: {  	_ =	shalt  }
0x68: {  	_ =	shalt  }
0x69: {  	_ =	shalt  }
0x6a: {  	_ =	shalt  }
0x6b: {  	_ =	shalt  }
0x6c: {  	_ =	shalt  }
0x6d: {  	_ =	shalt  }
0x6e: {  	_ =	shalt  }
0x6f: {  	_ =	shalt  }
0x70: {  	_ =	shalt  }
0x71: {  	_ =	shalt  }
0x72: {  	_ =	shalt  }
0x73: {  	_ =	shalt  }
0x74: {  	_ =	shalt  }
0x75: {  	_ =	shalt  }
0x76: {  	_ =	shalt  }
0x77: {  	_ =	shalt  }
0x78: {  	_ =	shalt  }
0x79: {  	_ =	shalt  }
0x7a: {  	_ =	shalt  }
0x7b: {  	_ =	shalt  }
0x7c: {  	_ =	shalt  }
0x7d: {  	_ =	shalt  }
0x7e: {  	_ =	shalt  }
0x7f: {  	_ =	shalt  }
0x80: {  	_ =	shalt  }
0x81: {  	_ =	shalt  }
0x82: {  	_ =	shalt  }
0x83: {  	_ =	shalt  }
0x84: {  	_ =	shalt  }
0x85: {  	_ =	shalt  }
0x86: {  	_ =	shalt  }
0x87: {  	_ =	shalt  }
.Lfunc_end0:
.L_simem_size_0:
called_computation_lowered:
.L_overlay_start_0:
0x88: {  	s2 =	sld [smem:$0x3FD9]  }
0x89: {  	s3 =	sld [smem:$0x3FFE];
	_ =	sdelay $0x1  }
0x8a: {  	s1 =	srdreg.scid  }
0x8b: {  	s0 =	sand.u32 $0x1, s1  }
0x8c: {  	s15 =	sshll.u32 s0, $0xA;
	s2 =	sadd.s32 s3, s2  }
0x8d: {  	s2 =	sadd.s32 s2, s15  }
0x8e: {  	[smem:$0x3FAC] =	sst s2  }
0x8f: {  	_ = 	snop  }
0x90: {  	s2 =	sld [smem:$0x3FD0];
	_ =	sdelay $0x2  }
0x91: {  	s16 =	simm.s32 $0xA;
	s4 =	simm.s32 $0x10  }
0x92: {  	[smem:s4], [sflag:s16] =	dma.local [hbm:s2], $0x1  }
0x93: {  	_ =	swait.eq [sflag:s16], $0x1  }
0x94: {  	[sflag:s16] =	ssyncset.done $0x0  }
0x95: {  	s17 =	sld [smem:$0x10];
	[sflag:s16] =	ssyncadd.s32 $0xFFFFFFFF  }
0x96: {  	s18 =	sld [smem:$0x11];
	(tm) =	ssettm $0x1  }
0x97: {  	s19 =	sld [smem:$0x3FFB];
	_ =	sdelay $0x3  }
0x98: {  	_ =	strace s19  }
0x99: {  	s4 =	sld [smem:$0x3FFC];
	_ =	sdelay $0x3  }
0x9a: {  	_ =	strace s4  }
0x9b: {  	s4 =	sld [smem:$0x3FFD];
	_ =	sdelay $0x3  }
0x9c: {  	_ =	strace s4  }
0x9d: {  	_ =	strace $0x8FFFFFFF  }
0x9e: {  	s20 =	sld [smem:$0x3FDB];
	_ =	sdelay $0x1  }
0x9f: {  	s5 =	simm.s32 $_scs_section_size  }
0xa0: {  	s6 =	simm.s32 $_size__tile_overlayer_lowered;
	s7 =	simm.s32 $_tile_overlayer_lowered  }
0xa1: {  	s23 =	simm.s32 $0x1BFF;
	s22 =	sshll.u32 s7, $0x1;
	s4 =	sadd.s32 s5, s20  }
0xa2: {  	s8 =	simm.s32 $0x0;
	s21 =	sshll.u32 s6, $0x1;
	s6 =	sadd.s32 s22, s4  }
0xa3: {  	[timem:s8], [sflag:s23] =	dma.local [hbm:s6], s21  }
0xa4: {  	_ =	swait.ge [sflag:s23], s21  }
0xa5: {  	s5 =	ssub.s32 $0x0, s21;
	[sflag:s23] =	ssyncset.done $0x0  }
0xa6: {  	[sflag:s23] =	ssyncadd.s32 s5;
	_ =	sdelay $0x1  }
0xa7: {  	s24 =	simm.s32 $0x1B8B  }
0xa8: {  	_ =	swait.ge [sflag:s24], $0x1  }
0xa9: {  	[sflag:s24] =	ssyncset.done $0x0  }
0xaa: {  	s25 =	simm.s32 $0x1B8E;
	[sflag:s24] =	ssyncadd.s32 $0xFFFFFFFF  }
0xab: {  	s26 =	simm.s32 $execute0_lowered;
	[smem:$0x3FD2] =	sst s25  }
0xac: {  	s5 =	sshll.u32 s26, $0x1;
	_ =	strace $0x80000046;
	[dreg:$0x1] =	wrdreg $0xFFFFFFFF  }
0xad: {  	s28 =	simm.s32 $_size_execute0_lowered;
	s4 =	sadd.s32 s4, s5;
	[dreg:$0x0] =	wrdreg $0x0  }
0xae: {  	s5 =	sshll.u32 s28, $0x1;
	[dreg:$0x2] =	wrdreg s4  }
0xaf: {  	[dreg:$0x3] =	wrdreg s5  }
0xb0: {  	[dreg:$0x4] =	wrdreg $0xC0  }
0xb1: {  	_ =	task [dreg:s8], $0x5FFFF  }
0xb2: {  	[dreg:$0x1] =	wrdreg $0xFFFFFFFF  }
0xb3: {  	[dreg:$0x0] =	wrdreg $0x60  }
0xb4: {  	[dreg:$0x2] =	wrdreg s17  }
0xb5: {  	[dreg:$0x3] =	wrdreg s18  }
0xb6: {  	[dreg:$0x4] =	wrdreg $0x9  }
0xb7: {  	_ =	task.clear_ibuf [dreg:s8], $0x5FFFF;
	_ =	strace $0x90000046  }
0xb8: {  	s29 =	simm.s32 $0x9;
	_ =	strace $0x80000048  }
0xb9: {  	_ =	swait.ge [sflag:s29], $0x1  }
0xba: {  	[sflag:s29] =	ssyncadd.s32 $0xFFFFFFFF  }
0xbb: {  	_ =	strace $0x90000048  }
0xbc: {  	_ =	sfence  }
0xbd: {  	s30 =	sld [smem:$0x0];
	_ =	sdelay $0x2  }
0xbe: {  	s31 =	sshll.u32 s1, $0xD;
	s1 =	sshrl.u32 s1, $0x2  }
0xbf: {  	s3 =	sand.u32 $0x4000, s31;
	s1 =	sadd.s32 s1, s30  }
0xc0: {  	s0 =	sor.u32 s3, s0;
	s1 =	sshll.u32 s1, $0x11  }
0xc1: {  	s0 =	sor.u32 s1, s0  }
0xc2: {  	s0 =	sadd.s32 $0x8F2B, s0  }
0xc3: {  	[sflag:s0] =	ssyncadd.remote.s32 $0x1  }
0xc4: {  	_ =	sfence.sel $0xFFFF  }
0xc5: {  	[dreg:$0x0] =	wrdreg $0xFFFFFFFF;
	(pc) =	sbr.abs _section_cstart, $3  }
0xc6: {  	[dreg:$0x1] =	wrdreg $0xFFFFFFFF  }
0xc7: {  	_ =	task.clear_ibuf [dreg:s8], $0x2FFFF;
	_ =	strace $0x9FFFFFFF  }
0xc8: {  	(tm) =	ssettm $0x7FFFFFFF  }
0xc9: {  	_ =	shalt  }
tec
execute0_lowered:
.L_overlay_start_1:
0x0: {  	(tag) =	ssettag $0x1  }
0x1: {  	s1 =	stileid.u32  }
0x2: {  	p0 =	sgt.u32 s1, $0x1  }
.Ltmp0:
0x3: {  	_ = 	snop;
	(pc) =	sbr.rel @p0 .LBB2_5-.Ltmp0, $4  }
0x4: {  	s4 =	rddreg [dreg:$0x0]  }
0x5: {  	s3 =	rddreg [dreg:$0x1];
	s2 =	simm.s32 $0x0  }
0x6: {  	[smem:$0x7FF] =	sst s2  }
0x7: {  	s0 =	rddreg [dreg:$0x2];
	_ =	strace $0x80000047  }
0x8: {  	s5 =	srdreg.scid  }
0x9: {  	s5 =	sand.u32 $0x1, s5  }
0xa: {  	s6 =	sshll.u32 s1, $0x1;
	s7 =	ssub.s32 $0x2, s5  }
0xb: {  	v0 =	vlaneseq.u32;
	s5 =	sor.u32 s5, s6;
	s31 =	sshrl.u32 s7, $0x1  }
0xc: {  	v1 =	vor.u32 $0x10, v0;
	s8 =	sshll.u32 s5, $0x4;
	s5 =	sshll.u32 s5, $0xB;
	s6 =	ssub.s32 s7, s31  }
0xd: {  	v2 =	vor.u32 $0x20, v0;
	v3 =	vor.u32 $0x30, v0;
	v4 =	vor.u32 $0x40, v0;
	s3 =	sadd.s32 s3, s8;
	s4 =	sadd.s32 s4, s5;
	s7 =	simm.s32 $0x4000  }
0xe: {  	v5 =	vor.u32 $0x50, v0;
	v6 =	vor.u32 $0x60, v0;
	v7 =	vor.u32 $0x70, v0;
	s8 =	simm.s32 $0x0;
	s5 =	smax.u32 s6, $0x1;
	s6 =	simm.s32 $0x1  }
.LBB2_2:
0xf: {  	s9 =	simm.s32 $0x0  }
0x10: {  	[tilespmem:s9], [sflag:$0x1] =	stream.linear.gather [hbm4b:s4+s9], $0x4000, $0x38;
	[tilespmem:$0x4180] =	vst v63  }
0x11: {  	_ =	swait.ge [sflag:s6], $0x4000  }
0x12: {  	[sflag:s6] =	ssyncset.done $0x0  }
0x13: {  	s10 =	simm.s32 $0x40;
	[sflag:s6] =	ssyncadd.s32 $0xFFFFC000  }
0x14: {  	v9 =	vld [tilespmem:s10+$0x20]  }
0x15: {  	v10 =	vld [tilespmem:s10+$0x10]  }
0x16: {  	v12 =	vld [tilespmem:s10+$0x30]  }
0x17: {  	v13 =	vld [tilespmem:s10+$0xFFFFFFE0]  }
0x18: {  	v14 =	vld [tilespmem:s10+$0x0]  }
0x19: {  	v15 =	vld [tilespmem:s10+$0xFFFFFFC0]  }
0x1a: {  	v16 =	vld [tilespmem:s10+$0xFFFFFFD0]  }
0x1b: {  	v8 =	vimm.f32 $0.0e+00;
	v11 =	vld [tilespmem:s10+$0xFFFFFFF0]  }
0x1c: {  	vm0 =	vgt.f32 v8, $0.0e+00  }
0x1d: {  	v10 =	vsel vm0, $0xC0000000, v10;
	v13 =	vsel vm0, $0xC0000000, v13;
	v9 =	vsel vm0, $0xC0000000, v9  }
0x1e: {  	v12 =	vsel vm0, $0xC0000000, v12;
	v14 =	vsel vm0, $0xC0000000, v14;
	v15 =	vsel vm0, $0xC0000000, v15  }
0x1f: {  	v16 =	vsel vm0, $0xC0000000, v16;
	vm1 =	vgt.f32 v15, $-3.000000000e+00;
	v15 =	vmax.f32 v15, $-3.000000000e+00  }
0x20: {  	v11 =	vsel vm0, $0xC0000000, v11;
	vm0 =	vgt.f32 v16, v15;
	v15 =	vmax.f32 v15, v16  }
0x21: {  	v17 =	vnsel vm1, $0x7FFF, v0;
	vm15 =	vgt.f32 v13, v15;
	v13 =	vmax.f32 v15, v13  }
0x22: {  	v16 =	vsel vm0, v1, v17;
	vm4 =	vgt.f32 v11, v13;
	v11 =	vmax.f32 v13, v11  }
0x23: {  	v15 =	vsel vm15, v2, v16;
	vm5 =	vgt.f32 v14, v11;
	v11 =	vmax.f32 v11, v14  }
0x24: {  	v13 =	vsel vm4, v3, v15;
	vm6 =	vgt.f32 v10, v11;
	v10 =	vmax.f32 v11, v10  }
0x25: {  	v13 =	vsel vm5, v4, v13;
	vm7 =	vgt.f32 v9, v10;
	v9 =	vmax.f32 v10, v9  }
0x26: {  	v11 =	vsel vm6, v5, v13;
	vm8 =	vgt.f32 v12, v9;
	v9 =	vmax.f32 v9, v12  }
0x27: {  	v10 =	vsel vm7, v6, v11;
	[tilespmem:$0x4090] =	vst v9  }
0x28: {  	v10 =	vsel vm8, v7, v10;
	[tilespmem:$0x4080] =	vst v9  }
0x29: {  	[tilespmem:$0x4100] =	vst v10  }
0x2a: {  	[tilespmem:$0x4110] =	vst v10;
	v11 =	vld [tilespmem:$0x4088]  }
0x2b: {  	v12 =	vld [tilespmem:$0x4108];
	_ =	sdelay $0x4  }
0x2c: {  	vm9 =	veq.f32 v11, v9;
	vm10 =	vlt.s32 v12, v10  }
0x2d: {  	vm2 =	vgt.f32 v11, v9;
	vm0 =	vmand vm9, vm10  }
0x2e: {  	vm0 =	vmor vm2, vm0  }
0x2f: {  	v9 =	vsel vm0, v11, v9  }
0x30: {  	[tilespmem:$0x4080] =	vst v9  }
0x31: {  	v10 =	vsel vm0, v12, v10;
	[tilespmem:$0x4090] =	vst v9  }
0x32: {  	[tilespmem:$0x4100] =	vst v10  }
0x33: {  	[tilespmem:$0x4110] =	vst v10;
	v11 =	vld [tilespmem:$0x4084]  }
0x34: {  	v12 =	vld [tilespmem:$0x4104];
	_ =	sdelay $0x4  }
0x35: {  	vm11 =	veq.f32 v11, v9;
	vm12 =	vlt.s32 v12, v10  }
0x36: {  	vm13 =	vgt.f32 v11, v9;
	vm0 =	vmand vm11, vm12  }
0x37: {  	vm0 =	vmor vm13, vm0  }
0x38: {  	v10 =	vsel vm0, v12, v10  }
0x39: {  	v11 =	vsel vm0, v11, v9;
	[tilespmem:$0x4110] =	vst v10  }
0x3a: {  	[tilespmem:$0x4090] =	vst v11  }
0x3b: {  	[tilespmem:$0x4080] =	vst v11  }
0x3c: {  	[tilespmem:$0x4100] =	vst v10;
	v12 =	vld [tilespmem:$0x4082]  }
0x3d: {  	v13 =	vld [tilespmem:$0x4102];
	_ =	sdelay $0x4  }
0x3e: {  	vm0 =	veq.f32 v12, v11;
	vm14 =	vlt.s32 v13, v10  }
0x3f: {  	vm15 =	vgt.f32 v12, v11;
	vm0 =	vmand vm0, vm14  }
0x40: {  	v18 =	vimm.f32 $0.0e+00;
	v19 =	vimm.f32 $0.0e+00;
	vm0 =	vmor vm15, vm0  }
0x41: {  	v20 =	vimm.f32 $0.0e+00;
	v21 =	vimm.f32 $0.0e+00;
	v24 =	vsel vm0, v12, v11  }
0x42: {  	v22 =	vimm.f32 $0.0e+00;
	v23 =	vimm.f32 $0.0e+00;
	v17 =	vimm.f32 $0.0e+00;
	[tilespmem:$0x4090] =	vst v24  }
0x43: {  	v16 =	vimm.s32 $0xFFFFFFFF;
	v15 =	vimm.s32 $0xFFFFFFFF;
	v25 =	vsel vm0, v13, v10;
	[tilespmem:$0x4080] =	vst v24  }
0x44: {  	v14 =	vimm.s32 $0xFFFFFFFF;
	v9 =	vimm.s32 $0xFFFFFFFF;
	v10 =	vimm.s32 $0xFFFFFFFF;
	[tilespmem:$0x4110] =	vst v25  }
0x45: {  	s11 =	simm.s32 $0x1;
	v13 =	vimm.s32 $0xFFFFFFFF;
	v12 =	vimm.s32 $0xFFFFFFFF;
	v11 =	vimm.s32 $0xFFFFFFFF;
	[tilespmem:$0x4100] =	vst v25;
	v26 =	vld [tilespmem:$0x4081]  }
.LBB2_3:
0x46: {  	p0 =	sne.s32 s11, $0x7F  }
0x47: {  	s10 =	sadd.s32 $0x80, s10;
	s12 =	smov.u32 s11;
	s11 =	sadd.s32 $0x1, s11  }
0x48: {  	v27 =	vld [tilespmem:$0x4101];
	_ =	sdelay $0x1  }
0x49: {  	vm0 =	vgt.f32 v26, v24  }
0x4a: {  	vm1 =	veq.f32 v26, v24;
	_ =	sdelay $0x1  }
0x4b: {  	vm2 =	vlt.s32 v27, v25  }
0x4c: {  	vm1 =	vmand vm1, vm2  }
0x4d: {  	vm0 =	vmor vm0, vm1  }
0x4e: {  	v24 =	vsel vm0, v26, v24;
	v25 =	vsel vm0, v27, v25  }
0x4f: {  	vm0 =	vge.f32 v24, $0.0e+00;
	v24 =	vmov s9;
	s9 =	smov.u32 s12  }
0x50: {  	v26 =	vnsel vm0, $0x7FFF, v25;
	v25 =	vnsel vm0, $0xFFFFFFFF, v25;
	vm0 =	veq.s32 v24, v5  }
0x51: {  	vm2 =	veq.s32 v24, v6;
	vm1 =	veq.s32 v26, v0;
	vm4 =	veq.s32 v26, v1  }
0x52: {  	vm6 =	veq.s32 v24, v3;
	vm3 =	veq.s32 v26, v2;
	vm5 =	veq.s32 v26, v6  }
0x53: {  	v9 =	vsel vm2, v25, v9;
	v8 =	vsel vm3, $0x3F800000, v8;
	vm3 =	veq.s32 v26, v5  }
0x54: {  	vm8 =	veq.s32 v24, v0;
	vm2 =	veq.s32 v26, v4;
	vm7 =	veq.s32 v26, v7;
	v27 =	vld [tilespmem:s10+$0x20]  }
0x55: {  	vm9 =	veq.s32 v26, v3;
	v10 =	vsel vm0, v25, v10;
	v17 =	vsel vm2, $0x3F800000, v17;
	v28 =	vld [tilespmem:s10+$0x10]  }
0x56: {  	v18 =	vsel vm9, $0x3F800000, v18;
	v19 =	vsel vm5, $0x3F800000, v19;
	vm2 =	veq.s32 v24, v2;
	v26 =	vld [tilespmem:s10+$0xFFFFFFF0]  }
0x57: {  	v13 =	vsel vm8, v25, v13;
	v20 =	vsel vm7, $0x3F800000, v20;
	vm5 =	veq.s32 v24, v7;
	v29 =	vld [tilespmem:s10+$0x30]  }
0x58: {  	v12 =	vsel vm6, v25, v12;
	vm0 =	veq.s32 v24, v4;
	v21 =	vsel vm4, $0x3F800000, v21;
	v30 =	vld [tilespmem:s10+$0xFFFFFFE0]  }
0x59: {  	vm7 =	veq.s32 v24, v1;
	vm4 =	vgt.f32 v21, $0.0e+00;
	vm6 =	vgt.f32 v18, $0.0e+00;
	v31 =	vld [tilespmem:s10+$0x0]  }
0x5a: {  	vm8 =	vgt.f32 v17, $0.0e+00;
	v22 =	vsel vm3, $0x3F800000, v22;
	v15 =	vsel vm7, v25, v15;
	v24 =	vld [tilespmem:s10+$0xFFFFFFC0]  }
0x5b: {  	v23 =	vsel vm1, $0x3F800000, v23;
	vm7 =	vgt.f32 v20, $0.0e+00;
	vm3 =	vgt.f32 v22, $0.0e+00;
	v32 =	vld [tilespmem:s10+$0xFFFFFFD0]  }
0x5c: {  	vm1 =	vgt.f32 v8, $0.0e+00;
	v28 =	vsel vm3, $0xC0000000, v28;
	vm3 =	vgt.f32 v19, $0.0e+00  }
0x5d: {  	v27 =	vsel vm3, $0xC0000000, v27;
	v29 =	vsel vm7, $0xC0000000, v29;
	v30 =	vsel vm1, $0xC0000000, v30  }
0x5e: {  	v11 =	vsel vm5, v25, v11;
	vm1 =	vgt.f32 v23, $0.0e+00;
	v31 =	vsel vm8, $0xC0000000, v31  }
0x5f: {  	v16 =	vsel vm2, v25, v16;
	v26 =	vsel vm6, $0xC0000000, v26;
	v24 =	vsel vm1, $0xC0000000, v24  }
0x60: {  	vm1 =	vgt.f32 v24, $-3.000000000e+00;
	v24 =	vmax.f32 v24, $-3.000000000e+00;
	v32 =	vsel vm4, $0xC0000000, v32  }
0x61: {  	v33 =	vnsel vm1, $0x7FFF, v0;
	vm1 =	vgt.f32 v32, v24;
	v24 =	vmax.f32 v24, v32  }
0x62: {  	v32 =	vsel vm1, v1, v33;
	vm1 =	vgt.f32 v30, v24;
	v24 =	vmax.f32 v24, v30  }
0x63: {  	v30 =	vsel vm1, v2, v32;
	vm1 =	vgt.f32 v26, v24;
	v24 =	vmax.f32 v24, v26  }
0x64: {  	v26 =	vsel vm1, v3, v30;
	vm1 =	vgt.f32 v31, v24;
	v24 =	vmax.f32 v24, v31  }
0x65: {  	v26 =	vsel vm1, v4, v26;
	vm1 =	vgt.f32 v28, v24;
	v24 =	vmax.f32 v24, v28  }
0x66: {  	v26 =	vsel vm1, v5, v26;
	vm1 =	vgt.f32 v27, v24;
	v24 =	vmax.f32 v24, v27  }
0x67: {  	v14 =	vsel vm0, v25, v14;
	v26 =	vsel vm1, v6, v26;
	vm1 =	vgt.f32 v29, v24  }
0x68: {  	v24 =	vmax.f32 v24, v29;
	v25 =	vsel vm1, v7, v26  }
0x69: {  	[tilespmem:$0x4090] =	vst v24  }
0x6a: {  	[tilespmem:$0x4100] =	vst v25  }
0x6b: {  	[tilespmem:$0x4080] =	vst v24  }
0x6c: {  	[tilespmem:$0x4110] =	vst v25;
	v26 =	vld [tilespmem:$0x4088]  }
0x6d: {  	v27 =	vld [tilespmem:$0x4108];
	_ =	sdelay $0x3  }
0x6e: {  	vm0 =	vgt.f32 v26, v24;
	vm1 =	veq.f32 v26, v24  }
0x6f: {  	vm2 =	vlt.s32 v27, v25  }
0x70: {  	vm1 =	vmand vm1, vm2  }
0x71: {  	vm0 =	vmor vm0, vm1  }
0x72: {  	v24 =	vsel vm0, v26, v24;
	v25 =	vsel vm0, v27, v25  }
0x73: {  	[tilespmem:$0x4080] =	vst v24  }
0x74: {  	[tilespmem:$0x4090] =	vst v24  }
0x75: {  	[tilespmem:$0x4100] =	vst v25;
	v26 =	vld [tilespmem:$0x4084]  }
0x76: {  	[tilespmem:$0x4110] =	vst v25  }
0x77: {  	v27 =	vld [tilespmem:$0x4104];
	_ =	sdelay $0x2  }
0x78: {  	vm0 =	vgt.f32 v26, v24;
	vm1 =	veq.f32 v26, v24;
	_ =	sdelay $0x1  }
0x79: {  	vm2 =	vlt.s32 v27, v25  }
0x7a: {  	vm1 =	vmand vm1, vm2  }
0x7b: {  	vm0 =	vmor vm0, vm1  }
0x7c: {  	v24 =	vsel vm0, v26, v24;
	v25 =	vsel vm0, v27, v25  }
0x7d: {  	[tilespmem:$0x4110] =	vst v25  }
0x7e: {  	[tilespmem:$0x4090] =	vst v24  }
0x7f: {  	[tilespmem:$0x4080] =	vst v24  }
0x80: {  	[tilespmem:$0x4100] =	vst v25;
	v26 =	vld [tilespmem:$0x4082]  }
0x81: {  	v27 =	vld [tilespmem:$0x4102];
	_ =	sdelay $0x3  }
0x82: {  	vm0 =	vgt.f32 v26, v24;
	vm1 =	veq.f32 v26, v24  }
0x83: {  	vm2 =	vlt.s32 v27, v25  }
0x84: {  	vm1 =	vmand vm1, vm2  }
0x85: {  	vm0 =	vmor vm0, vm1  }
.Ltmp1:
0x86: {  	v24 =	vsel vm0, v26, v24;
	v25 =	vsel vm0, v27, v25;
	(pc) =	sbr.rel @p0 .LBB2_3-.Ltmp1, $4  }
0x87: {  	[tilespmem:$0x4090] =	vst v24  }
0x88: {  	[tilespmem:$0x4080] =	vst v24  }
0x89: {  	[tilespmem:$0x4110] =	vst v25;
	v26 =	vld [tilespmem:$0x4081]  }
0x8a: {  	[tilespmem:$0x4100] =	vst v25  }
0x8b: {  	v8 =	vld [tilespmem:$0x4101];
	_ =	sdelay $0x4  }
0x8c: {  	vm0 =	veq.f32 v26, v24;
	vm1 =	vlt.s32 v8, v25  }
0x8d: {  	vm2 =	vgt.f32 v26, v24;
	vm0 =	vmand vm0, vm1  }
0x8e: {  	vm0 =	vmor vm2, vm0  }
0x8f: {  	v17 =	vsel vm0, v26, v24  }
0x90: {  	v61 =	vmov s9;
	v8 =	vsel vm0, v8, v25;
	vm7 =	vge.f32 v17, $0.0e+00  }
0x91: {  	vm8 =	veq.s32 v61, v0;
	v8 =	vnsel vm7, $0xFFFFFFFF, v8  }
0x92: {  	vm9 =	veq.s32 v61, v1;
	v13 =	vsel vm8, v8, v13  }
0x93: {  	vm10 =	veq.s32 v61, v2;
	v15 =	vsel vm9, v8, v15;
	[tilespmem:$0x4000] =	vst v13  }
0x94: {  	vm11 =	veq.s32 v61, v3;
	v62 =	vsel vm10, v8, v16;
	[tilespmem:$0x4010] =	vst v15  }
0x95: {  	vm12 =	veq.s32 v61, v4;
	v12 =	vsel vm11, v8, v12;
	[tilespmem:$0x4020] =	vst v62  }
0x96: {  	vm13 =	veq.s32 v61, v5;
	v63 =	vsel vm12, v8, v14;
	[tilespmem:$0x4030] =	vst v12  }
0x97: {  	vm14 =	veq.s32 v61, v6;
	v10 =	vsel vm13, v8, v10;
	[tilespmem:$0x4040] =	vst v63  }
0x98: {  	s8 =	sadd.s32 $0x1, s8;
	vm15 =	veq.s32 v61, v7;
	v9 =	vsel vm14, v8, v9;
	[tilespmem:$0x4050] =	vst v10  }
0x99: {  	p0 =	sne.s32 s8, s5;
	v8 =	vsel vm15, v8, v11;
	[tilespmem:$0x4060] =	vst v9  }
.Ltmp2:
0x9a: {  	[tilespmem:$0x4070] =	vst v8;
	(pc) =	sbr.rel @p0 .LBB2_2-.Ltmp2, $4  }
0x9b: {  	[hbm4b:s3+s2] =	stream.linear.scatter [tilespmem:s7], [sflag:$0x1], $0x80, $0x38;
	[tilespmem:$0x4180] =	vst v63  }
0x9c: {  	_ =	swait.ge [sflag:s6], $0x80  }
0x9d: {  	[sflag:s6] =	ssyncset.done $0x0  }
0x9e: {  	[sflag:s6] =	ssyncadd.s32 $0xFFFFFF80  }
.LBB2_5:
0x9f: {  	_ =	sfence.sel $0x180000  }
0xa0: {  	[bflag:$0x0] =	sbarrier.arrive $0xFFFF  }
0xa1: {  	p0 =	sne.s32 s1, $0x0;
	_ =	strace $0x90000047  }
0xa2: {  	s0 =	sadd.s32 @!p0 $0x100000, s0;
	[bflag:$0x2] =	sbarrier.arrive $0xFFFF  }
0xa3: {  	[sflag:s0] =	ssyncadd.tile.s32 @!p0 $0x1;
	_ =	shalt  }
.Lfunc_end2:
_tile_overlayer_lowered:
.L_overlay_start_2:
0xa4: {  	(tag) =	ssettag $0x2  }
0xa5: {  	s0 =	rddreg [dreg:$0x0];
	s2 =	stileid.u32  }
0xa6: {  	s1 =	rddreg [dreg:$0x1];
	p0 =	sne.s32 s2, $0x0  }
0xa7: {  	s3 =	rddreg [dreg:$0x2];
	[bflag:$0x3] =	sbarrier.arrive $0xFFFF;
	s2 =	simm.s32 @!p0 $0x1C01  }
0xa8: {  	[timem:s3], [sflag:s2] =	dma.local @!p0 [hbm:s0], s1  }
0xa9: {  	s0 =	simm.s32 @!p0 $0x1  }
0xaa: {  	_ =	swait.ge @!p0 [sflag:s0], s1  }
0xab: {  	s1 =	ssub.s32 @!p0 $0x0, s1;
	[sflag:s0] =	ssyncset.done @!p0 $0x0  }
0xac: {  	[sflag:s0] =	ssyncadd.s32 @!p0 s1  }
0xad: {  	[bflag:$0x3] =	sbarrier.arrive $0xFFFF  }
0xae: {  	_ =	shalt  }

</sc_bundles>
